<compile_context>
chip_gen: v7x
topology: tpu7x:2x2x1
jax: 0.10.2.dev20260603
libtpu: 0.0.44.dev20260713+nightly
codegen_flags: <defaults>
</compile_context>

<pallas_src>
import functools

import jax
import jax.numpy as jnp
from jax import lax
from jax.experimental import pallas as pl
from jax.experimental.pallas import tpu as pltpu
from jax.experimental.pallas import tpu_sc as plsc

VOCAB = 100000
EMB = 128
B = 4096
L = 200
NUM_CLASSES = 2
HIDDEN = 200

NC = 2
NS = 16
NW = NC * NS
ROWS_W = B // NW
CHUNK = L // 2
CHUNKS_W = ROWS_W * 2
NBUF = 4


def _sc_body(table_hbm, ids_hbm, out_hbm, idx_v, bufs, pooled_v, sems):
    cid = lax.axis_index("c")
    sid = lax.axis_index("s")
    wid = sid * NC + cid
    rbase = wid * CHUNKS_W
    obase = wid * ROWS_W

    pltpu.sync_copy(ids_hbm.at[pl.ds(rbase, CHUNKS_W)], idx_v)

    def gather(c, k):
        return pltpu.make_async_copy(table_hbm.at[idx_v.at[c]], bufs.at[k],
                                     sems.at[k])

    for k in range(NBUF):
        gather(k, k).start()

    def outer(i, _):
        for half in range(2):
            acc = tuple(jnp.zeros((16,), jnp.float32) for _ in range(8))
            for k2 in range(2):
                k = half * 2 + k2
                c = 4 * i + k
                gather(c, k).wait()

                def red(j, carry, k=k):
                    return tuple(carry[d] + bufs[k, j, pl.ds(d * 16, 16)]
                                 for d in range(8))

                acc = lax.fori_loop(0, CHUNK, red, acc)

                @pl.when(c + NBUF < CHUNKS_W)
                def _(c=c, k=k):
                    gather(c + NBUF, k).start()

            row = 2 * i + half
            inv_l = jnp.float32(1.0 / L)
            for d in range(8):
                pooled_v[row, pl.ds(d * 16, 16)] = acc[d] * inv_l
        return 0

    lax.fori_loop(0, ROWS_W // 2, outer, 0)
    pltpu.sync_copy(pooled_v, out_hbm.at[pl.ds(obase, ROWS_W)])


@functools.partial(jax.jit, static_argnums=())
def _sc_pool(emb_table, ids2):
    mesh = plsc.VectorSubcoreMesh(core_axis_name="c", subcore_axis_name="s",
                                  num_cores=NC, num_subcores=NS)
    return pl.kernel(
        _sc_body,
        out_type=jax.ShapeDtypeStruct((B, EMB), jnp.float32),
        mesh=mesh,
        scratch_types=[
            pltpu.VMEM((CHUNKS_W, CHUNK), jnp.int32),
            pltpu.VMEM((NBUF, CHUNK, EMB), jnp.float32),
            pltpu.VMEM((ROWS_W, EMB), jnp.float32),
            pltpu.SemaphoreType.DMA((NBUF,)),
        ],
    )(emb_table, ids2)


def _tc_body(x_ref, w1_ref, b1_ref, w2_ref, b2_ref, lab_ref,
             logits_ref, loss_ref):
    x = x_ref[...]
    h = jnp.maximum(
        jnp.dot(x, w1_ref[...], preferred_element_type=jnp.float32)
        + b1_ref[...], 0.0)
    lg = (jnp.dot(h, w2_ref[...], preferred_element_type=jnp.float32)
          + b2_ref[...])
    logits_ref[...] = lg
    m = jnp.max(lg, axis=1, keepdims=True)
    se = jnp.sum(jnp.exp(lg - m), axis=1, keepdims=True)
    lse = m + jnp.log(se)
    col = lax.broadcasted_iota(jnp.int32, (B, NUM_CLASSES), 1)
    picked = jnp.sum(jnp.where(col == lab_ref[...], lg, 0.0), axis=1,
                     keepdims=True)
    loss_ref[0, 0] = jnp.sum(lse - picked) / jnp.float32(B)


def _tc_mlp(pooled, W1, b1, W2, b2, labels2d):
    return pl.pallas_call(
        _tc_body,
        out_shape=(
            jax.ShapeDtypeStruct((B, NUM_CLASSES), jnp.float32),
            jax.ShapeDtypeStruct((1, 1), jnp.float32),
        ),
        out_specs=(
            pl.BlockSpec(memory_space=pltpu.VMEM),
            pl.BlockSpec(memory_space=pltpu.SMEM),
        ),
    )(pooled, W1, b1, W2, b2, labels2d)


def kernel(input_ids, labels, emb_table, W1, b1, W2, b2):
    ids2 = input_ids.astype(jnp.int32).reshape(B * 2, CHUNK)
    pooled = _sc_pool(emb_table, ids2)
    logits, loss = _tc_mlp(pooled, W1, b1.reshape(1, HIDDEN), W2,
                           b2.reshape(1, NUM_CLASSES),
                           labels.astype(jnp.int32).reshape(B, 1))
    return (logits, loss.reshape(()))

# --- scband reference (transcript-rebuilt; emitter-appended) ---
"""Pipeline reference for scband-spam-classifier-50276887166996 (READ-ONLY COPY).

The authoritative reference and input builder live on the scoring server;
editing this copy changes nothing except your own understanding.
"""

import jax, jax.numpy as jnp
import numpy as np

VOCAB = 100000
EMB = 128
B = 4096
L = 200
NUM_CLASSES = 2
PAD = 0
HIDDEN = 200


def setup_inputs(seed: int = 0) -> dict:
    key = jax.random.key(seed)
    k1, k2, k3, k4, k5 = jax.random.split(key, 5)
    input_ids = jax.random.randint(k1, (B, L), 0, VOCAB, dtype=jnp.int64 if jax.config.jax_enable_x64 else jnp.int32)
    labels = jax.random.randint(k2, (B,), 0, NUM_CLASSES, dtype=jnp.int64 if jax.config.jax_enable_x64 else jnp.int32)
    emb_table = jax.random.normal(k3, (VOCAB, EMB), dtype=jnp.float32)
    # padding_idx row is initialized to zeros in torch nn.Embedding
    emb_table = emb_table.at[PAD].set(0.0)
    W1 = jax.random.normal(k4, (EMB, HIDDEN), dtype=jnp.float32) * 0.05
    b1 = jnp.zeros((HIDDEN,), dtype=jnp.float32)
    W2 = jax.random.normal(k5, (HIDDEN, NUM_CLASSES), dtype=jnp.float32) * 0.05
    b2 = jnp.zeros((NUM_CLASSES,), dtype=jnp.float32)
    return {"input_ids": input_ids, "labels": labels, "emb_table": emb_table, "W1": W1, "b1": b1, "W2": W2, "b2": b2}


def reference(input_ids, labels, emb_table, W1, b1, W2, b2):
    # nn.Embedding lookup (gather)
    e = jnp.take(emb_table, input_ids, axis=0)  # [B, L, EMB]
    # mean over sequence dim
    e = e.mean(axis=1)  # [B, EMB]
    # first_layer + ReLU
    h = jnp.maximum(e @ W1 + b1, 0.0)  # [B, HIDDEN]
    # second_layer
    logits = h @ W2 + b2  # [B, NUM_CLASSES]
    # CrossEntropyLoss (mean reduction)
    logp = jax.nn.log_softmax(logits, axis=-1)
    nll = -jnp.take_along_axis(logp, labels[:, None], axis=1).squeeze(1)
    loss = nll.mean()
    return (logits, loss)

if __name__ == "__main__":
    import jax
    _d = setup_inputs()
    print(jax.jit(kernel)(*tuple(_d.values())))

</pallas_src>

<mosaic_0001>
#map = affine_map<(d0, d1) -> (0, 0)>
module attributes {stable_mosaic.version = 14 : i64} {
  func.func @_sc_body(%arg0: i32, %arg1: i32, %arg2: memref<100000x128xf32, #tpu.memory_space<hbm>>, %arg3: memref<8192x100xi32, #tpu.memory_space<hbm>>, %arg4: memref<4096x128xf32, #tpu.memory_space<hbm>>, %arg5: memref<256x100xi32, #tpu.memory_space<vmem>>, %arg6: memref<4x100x128xf32, #tpu.memory_space<vmem>>, %arg7: memref<128x128xf32, #tpu.memory_space<vmem>>, %arg8: memref<4x!tpu.dma_semaphore, #tpu.memory_space<semaphore_mem>>) attributes {dimension_semantics = [#tpu.dimension_semantics<core_parallel>, #tpu.dimension_semantics<subcore_parallel>], iteration_bounds = array<i64: 2, 16>, scalar_prefetch = 0 : i64, scratch_operands = 4 : i64, tpu.core_type = #tpu.core_type<sc_vector_subcore>, window_params = [{transform_indices = #map}, {transform_indices = #map}, {transform_indices = #map}]} {
    %mul3A = arith.constant 2 : i32
    %mul3A_0 = arith.muli %arg1, %mul3A : i32
    %add3A = arith.addi %mul3A_0, %arg0 : i32
    %mul3A_1 = arith.constant 256 : i32
    %mul3A_2 = arith.muli %add3A, %mul3A_1 : i32
    %mul3A_3 = arith.constant 128 : i32
    %mul3A_4 = arith.muli %add3A, %mul3A_3 : i32
    "tpu.region"() ({
      %run_scoped3A = tpu.sem_alloc : memref<!tpu.dma_semaphore, #tpu.memory_space<semaphore_mem>>
      %dma_start3A_70 = arith.constant 0 : i32
      %dma_start3A_71 = tpu.memref_slice %arg3[%mul3A_2, %dma_start3A_70] : memref<8192x100xi32, #tpu.memory_space<hbm>> -> memref<256x100xi32, #tpu.memory_space<hbm>>
      %dma_start3A_72 = arith.constant 0 : i32
      %dma_start3A_73 = tpu.memref_slice %arg3[%mul3A_2, %dma_start3A_72] : memref<8192x100xi32, #tpu.memory_space<hbm>> -> memref<256x100xi32, #tpu.memory_space<hbm>>
      tpu.enqueue_dma source(%dma_start3A_73 : memref<256x100xi32, #tpu.memory_space<hbm>>) target(%arg5 : memref<256x100xi32, #tpu.memory_space<vmem>>) target_semaphore(%run_scoped3A : memref<!tpu.dma_semaphore, #tpu.memory_space<semaphore_mem>>)
      %dma_wait3A = arith.constant 0 : i32
      %dma_wait3A_74 = tpu.memref_slice %arg3[%mul3A_2, %dma_wait3A] : memref<8192x100xi32, #tpu.memory_space<hbm>> -> memref<256x100xi32, #tpu.memory_space<hbm>>
      %dma_wait3A_75 = arith.constant 0 : i32
      %dma_wait3A_76 = tpu.memref_slice %arg3[%mul3A_2, %dma_wait3A_75] : memref<8192x100xi32, #tpu.memory_space<hbm>> -> memref<256x100xi32, #tpu.memory_space<hbm>>
      tpu.wait_dma2 semaphore(%run_scoped3A : memref<!tpu.dma_semaphore, #tpu.memory_space<semaphore_mem>>) src(%dma_wait3A_76 : memref<256x100xi32, #tpu.memory_space<hbm>>) dst(%arg5 : memref<256x100xi32, #tpu.memory_space<vmem>>)
      tpu.yield
    }) : () -> ()
    %dma_start3A = arith.constant 0 : i32
    %dma_start3A_5 = arith.constant 0 : i32
    %dma_start3A_6 = arith.constant 0 : i32
    %dma_start3A_7 = arith.constant 0 : i32
    %dma_start3A_8 = arith.constant 0 : i32
    %dma_start3A_9 = tpu.memref_slice %arg6[%dma_start3A_5, %dma_start3A_7, %dma_start3A_8] : memref<4x100x128xf32, #tpu.memory_space<vmem>> -> memref<1x100x128xf32, #tpu.memory_space<vmem>>
    %dma_start3A_10 = tpu.memref_squeeze %dma_start3A_9 : memref<1x100x128xf32, #tpu.memory_space<vmem>> -> memref<100x128xf32, #tpu.memory_space<vmem>>
    %dma_start3A_11 = arith.constant 0 : i32
    %dma_start3A_12 = tpu.memref_slice %arg5[%dma_start3A, %dma_start3A_11] : memref<256x100xi32, #tpu.memory_space<vmem>> -> memref<1x100xi32, #tpu.memory_space<vmem>>
    %dma_start3A_13 = tpu.memref_squeeze %dma_start3A_12 : memref<1x100xi32, #tpu.memory_space<vmem>> -> memref<100xi32, #tpu.memory_space<vmem>>
    %dma_start3A_14 = arith.constant 0 : i32
    %dma_start3A_15 = arith.constant 0 : i32
    %dma_start3A_16 = tpu.memref_slice %arg2[%dma_start3A_14, %dma_start3A_15] : memref<100000x128xf32, #tpu.memory_space<hbm>> -> memref<100000x128xf32, #tpu.memory_space<hbm>>
    %dma_start3A_17 = tpu.memref_slice %arg8[%dma_start3A_6] : memref<4x!tpu.dma_semaphore, #tpu.memory_space<semaphore_mem>> -> memref<1x!tpu.dma_semaphore, #tpu.memory_space<semaphore_mem>>
    %dma_start3A_18 = tpu.memref_squeeze %dma_start3A_17 : memref<1x!tpu.dma_semaphore, #tpu.memory_space<semaphore_mem>> -> memref<!tpu.dma_semaphore, #tpu.memory_space<semaphore_mem>>
    tpu.enqueue_indirect_dma source(%dma_start3A_16 : memref<100000x128xf32, #tpu.memory_space<hbm>>) target(%dma_start3A_10 : memref<100x128xf32, #tpu.memory_space<vmem>>) offsets(%dma_start3A_13 : memref<100xi32, #tpu.memory_space<vmem>>) semaphore(%dma_start3A_18 : memref<!tpu.dma_semaphore, #tpu.memory_space<semaphore_mem>>)
    %dma_start3A_19 = arith.constant 1 : i32
    %dma_start3A_20 = arith.constant 1 : i32
    %dma_start3A_21 = arith.constant 1 : i32
    %dma_start3A_22 = arith.constant 0 : i32
    %dma_start3A_23 = arith.constant 0 : i32
    %dma_start3A_24 = tpu.memref_slice %arg6[%dma_start3A_20, %dma_start3A_22, %dma_start3A_23] : memref<4x100x128xf32, #tpu.memory_space<vmem>> -> memref<1x100x128xf32, #tpu.memory_space<vmem>>
    %dma_start3A_25 = tpu.memref_squeeze %dma_start3A_24 : memref<1x100x128xf32, #tpu.memory_space<vmem>> -> memref<100x128xf32, #tpu.memory_space<vmem>>
    %dma_start3A_26 = arith.constant 0 : i32
    %dma_start3A_27 = tpu.memref_slice %arg5[%dma_start3A_19, %dma_start3A_26] : memref<256x100xi32, #tpu.memory_space<vmem>> -> memref<1x100xi32, #tpu.memory_space<vmem>>
    %dma_start3A_28 = tpu.memref_squeeze %dma_start3A_27 : memref<1x100xi32, #tpu.memory_space<vmem>> -> memref<100xi32, #tpu.memory_space<vmem>>
    %dma_start3A_29 = arith.constant 0 : i32
    %dma_start3A_30 = arith.constant 0 : i32
    %dma_start3A_31 = tpu.memref_slice %arg2[%dma_start3A_29, %dma_start3A_30] : memref<100000x128xf32, #tpu.memory_space<hbm>> -> memref<100000x128xf32, #tpu.memory_space<hbm>>
    %dma_start3A_32 = tpu.memref_slice %arg8[%dma_start3A_21] : memref<4x!tpu.dma_semaphore, #tpu.memory_space<semaphore_mem>> -> memref<1x!tpu.dma_semaphore, #tpu.memory_space<semaphore_mem>>
    %dma_start3A_33 = tpu.memref_squeeze %dma_start3A_32 : memref<1x!tpu.dma_semaphore, #tpu.memory_space<semaphore_mem>> -> memref<!tpu.dma_semaphore, #tpu.memory_space<semaphore_mem>>
    tpu.enqueue_indirect_dma source(%dma_start3A_31 : memref<100000x128xf32, #tpu.memory_space<hbm>>) target(%dma_start3A_25 : memref<100x128xf32, #tpu.memory_space<vmem>>) offsets(%dma_start3A_28 : memref<100xi32, #tpu.memory_space<vmem>>) semaphore(%dma_start3A_33 : memref<!tpu.dma_semaphore, #tpu.memory_space<semaphore_mem>>)
    %dma_start3A_34 = arith.constant 2 : i32
    %dma_start3A_35 = arith.constant 2 : i32
    %dma_start3A_36 = arith.constant 2 : i32
    %dma_start3A_37 = arith.constant 0 : i32
    %dma_start3A_38 = arith.constant 0 : i32
    %dma_start3A_39 = tpu.memref_slice %arg6[%dma_start3A_35, %dma_start3A_37, %dma_start3A_38] : memref<4x100x128xf32, #tpu.memory_space<vmem>> -> memref<1x100x128xf32, #tpu.memory_space<vmem>>
    %dma_start3A_40 = tpu.memref_squeeze %dma_start3A_39 : memref<1x100x128xf32, #tpu.memory_space<vmem>> -> memref<100x128xf32, #tpu.memory_space<vmem>>
    %dma_start3A_41 = arith.constant 0 : i32
    %dma_start3A_42 = tpu.memref_slice %arg5[%dma_start3A_34, %dma_start3A_41] : memref<256x100xi32, #tpu.memory_space<vmem>> -> memref<1x100xi32, #tpu.memory_space<vmem>>
    %dma_start3A_43 = tpu.memref_squeeze %dma_start3A_42 : memref<1x100xi32, #tpu.memory_space<vmem>> -> memref<100xi32, #tpu.memory_space<vmem>>
    %dma_start3A_44 = arith.constant 0 : i32
    %dma_start3A_45 = arith.constant 0 : i32
    %dma_start3A_46 = tpu.memref_slice %arg2[%dma_start3A_44, %dma_start3A_45] : memref<100000x128xf32, #tpu.memory_space<hbm>> -> memref<100000x128xf32, #tpu.memory_space<hbm>>
    %dma_start3A_47 = tpu.memref_slice %arg8[%dma_start3A_36] : memref<4x!tpu.dma_semaphore, #tpu.memory_space<semaphore_mem>> -> memref<1x!tpu.dma_semaphore, #tpu.memory_space<semaphore_mem>>
    %dma_start3A_48 = tpu.memref_squeeze %dma_start3A_47 : memref<1x!tpu.dma_semaphore, #tpu.memory_space<semaphore_mem>> -> memref<!tpu.dma_semaphore, #tpu.memory_space<semaphore_mem>>
    tpu.enqueue_indirect_dma source(%dma_start3A_46 : memref<100000x128xf32, #tpu.memory_space<hbm>>) target(%dma_start3A_40 : memref<100x128xf32, #tpu.memory_space<vmem>>) offsets(%dma_start3A_43 : memref<100xi32, #tpu.memory_space<vmem>>) semaphore(%dma_start3A_48 : memref<!tpu.dma_semaphore, #tpu.memory_space<semaphore_mem>>)
    %dma_start3A_49 = arith.constant 3 : i32
    %dma_start3A_50 = arith.constant 3 : i32
    %dma_start3A_51 = arith.constant 3 : i32
    %dma_start3A_52 = arith.constant 0 : i32
    %dma_start3A_53 = arith.constant 0 : i32
    %dma_start3A_54 = tpu.memref_slice %arg6[%dma_start3A_50, %dma_start3A_52, %dma_start3A_53] : memref<4x100x128xf32, #tpu.memory_space<vmem>> -> memref<1x100x128xf32, #tpu.memory_space<vmem>>
    %dma_start3A_55 = tpu.memref_squeeze %dma_start3A_54 : memref<1x100x128xf32, #tpu.memory_space<vmem>> -> memref<100x128xf32, #tpu.memory_space<vmem>>
    %dma_start3A_56 = arith.constant 0 : i32
    %dma_start3A_57 = tpu.memref_slice %arg5[%dma_start3A_49, %dma_start3A_56] : memref<256x100xi32, #tpu.memory_space<vmem>> -> memref<1x100xi32, #tpu.memory_space<vmem>>
    %dma_start3A_58 = tpu.memref_squeeze %dma_start3A_57 : memref<1x100xi32, #tpu.memory_space<vmem>> -> memref<100xi32, #tpu.memory_space<vmem>>
    %dma_start3A_59 = arith.constant 0 : i32
    %dma_start3A_60 = arith.constant 0 : i32
    %dma_start3A_61 = tpu.memref_slice %arg2[%dma_start3A_59, %dma_start3A_60] : memref<100000x128xf32, #tpu.memory_space<hbm>> -> memref<100000x128xf32, #tpu.memory_space<hbm>>
    %dma_start3A_62 = tpu.memref_slice %arg8[%dma_start3A_51] : memref<4x!tpu.dma_semaphore, #tpu.memory_space<semaphore_mem>> -> memref<1x!tpu.dma_semaphore, #tpu.memory_space<semaphore_mem>>
    %dma_start3A_63 = tpu.memref_squeeze %dma_start3A_62 : memref<1x!tpu.dma_semaphore, #tpu.memory_space<semaphore_mem>> -> memref<!tpu.dma_semaphore, #tpu.memory_space<semaphore_mem>>
    tpu.enqueue_indirect_dma source(%dma_start3A_61 : memref<100000x128xf32, #tpu.memory_space<hbm>>) target(%dma_start3A_55 : memref<100x128xf32, #tpu.memory_space<vmem>>) offsets(%dma_start3A_58 : memref<100xi32, #tpu.memory_space<vmem>>) semaphore(%dma_start3A_63 : memref<!tpu.dma_semaphore, #tpu.memory_space<semaphore_mem>>)
    %scan3A = arith.constant 0 : i32
    %scan3A_64 = arith.constant 0 : i32
    %scan3A_65 = arith.constant 64 : i32
    %scan3A_66 = arith.addi %scan3A_64, %scan3A_65 : i32
    %scan3A_67 = arith.constant 1 : i32
    %scan3A_68 = scf.for %scan3A_70 = %scan3A_64 to %scan3A_66 step %scan3A_67 iter_args(%scan3A_71 = %scan3A) -> (i32)  : i32 {
      %broadcast_in_dim3A = arith.constant 0.000000e+00 : f32
      %broadcast_in_dim3A_72 = vector.broadcast %broadcast_in_dim3A : f32 to vector<16xf32>
      %broadcast_in_dim3A_73 = arith.constant 0.000000e+00 : f32
      %broadcast_in_dim3A_74 = vector.broadcast %broadcast_in_dim3A_73 : f32 to vector<16xf32>
      %broadcast_in_dim3A_75 = arith.constant 0.000000e+00 : f32
      %broadcast_in_dim3A_76 = vector.broadcast %broadcast_in_dim3A_75 : f32 to vector<16xf32>
      %broadcast_in_dim3A_77 = arith.constant 0.000000e+00 : f32
      %broadcast_in_dim3A_78 = vector.broadcast %broadcast_in_dim3A_77 : f32 to vector<16xf32>
      %broadcast_in_dim3A_79 = arith.constant 0.000000e+00 : f32
      %broadcast_in_dim3A_80 = vector.broadcast %broadcast_in_dim3A_79 : f32 to vector<16xf32>
      %broadcast_in_dim3A_81 = arith.constant 0.000000e+00 : f32
      %broadcast_in_dim3A_82 = vector.broadcast %broadcast_in_dim3A_81 : f32 to vector<16xf32>
      %broadcast_in_dim3A_83 = arith.constant 0.000000e+00 : f32
      %broadcast_in_dim3A_84 = vector.broadcast %broadcast_in_dim3A_83 : f32 to vector<16xf32>
      %broadcast_in_dim3A_85 = arith.constant 0.000000e+00 : f32
      %broadcast_in_dim3A_86 = vector.broadcast %broadcast_in_dim3A_85 : f32 to vector<16xf32>
      %mul3A_87 = arith.constant 4 : i32
      %mul3A_88 = arith.muli %mul3A_87, %scan3A_70 : i32
      %add3A_89 = arith.constant 0 : i32
      %add3A_90 = arith.addi %mul3A_88, %add3A_89 : i32
      %dma_wait3A = arith.constant 0 : i32
      %dma_wait3A_91 = arith.constant 0 : i32
      %dma_wait3A_92 = arith.constant 0 : i32
      %dma_wait3A_93 = arith.constant 0 : i32
      %dma_wait3A_94 = tpu.memref_slice %arg6[%dma_wait3A, %dma_wait3A_92, %dma_wait3A_93] : memref<4x100x128xf32, #tpu.memory_space<vmem>> -> memref<1x100x128xf32, #tpu.memory_space<vmem>>
      %dma_wait3A_95 = tpu.memref_squeeze %dma_wait3A_94 : memref<1x100x128xf32, #tpu.memory_space<vmem>> -> memref<100x128xf32, #tpu.memory_space<vmem>>
      %dma_wait3A_96 = arith.constant 0 : i32
      %dma_wait3A_97 = tpu.memref_slice %arg5[%add3A_90, %dma_wait3A_96] : memref<256x100xi32, #tpu.memory_space<vmem>> -> memref<1x100xi32, #tpu.memory_space<vmem>>
      %dma_wait3A_98 = tpu.memref_squeeze %dma_wait3A_97 : memref<1x100xi32, #tpu.memory_space<vmem>> -> memref<100xi32, #tpu.memory_space<vmem>>
      %dma_wait3A_99 = arith.constant 0 : i32
      %dma_wait3A_100 = arith.constant 0 : i32
      %dma_wait3A_101 = tpu.memref_slice %arg2[%dma_wait3A_99, %dma_wait3A_100] : memref<100000x128xf32, #tpu.memory_space<hbm>> -> memref<100000x128xf32, #tpu.memory_space<hbm>>
      %dma_wait3A_102 = tpu.memref_slice %arg8[%dma_wait3A_91] : memref<4x!tpu.dma_semaphore, #tpu.memory_space<semaphore_mem>> -> memref<1x!tpu.dma_semaphore, #tpu.memory_space<semaphore_mem>>
      %dma_wait3A_103 = tpu.memref_squeeze %dma_wait3A_102 : memref<1x!tpu.dma_semaphore, #tpu.memory_space<semaphore_mem>> -> memref<!tpu.dma_semaphore, #tpu.memory_space<semaphore_mem>>
      tpu.wait_indirect_dma semaphore(%dma_wait3A_103 : memref<!tpu.dma_semaphore, #tpu.memory_space<semaphore_mem>>) src(%dma_wait3A_101 : memref<100000x128xf32, #tpu.memory_space<hbm>>) dst(%dma_wait3A_95 : memref<100x128xf32, #tpu.memory_space<vmem>>)
      %scan3A_104 = arith.constant 0 : i32
      %scan3A_105 = arith.constant 100 : i32
      %scan3A_106 = arith.addi %scan3A_104, %scan3A_105 : i32
      %scan3A_107 = arith.constant 1 : i32
      %scan3A_108:8 = scf.for %scan3A_359 = %scan3A_104 to %scan3A_106 step %scan3A_107 iter_args(%scan3A_360 = %broadcast_in_dim3A_72, %scan3A_361 = %broadcast_in_dim3A_74, %scan3A_362 = %broadcast_in_dim3A_76, %scan3A_363 = %broadcast_in_dim3A_78, %scan3A_364 = %broadcast_in_dim3A_80, %scan3A_365 = %broadcast_in_dim3A_82, %scan3A_366 = %broadcast_in_dim3A_84, %scan3A_367 = %broadcast_in_dim3A_86) -> (vector<16xf32>, vector<16xf32>, vector<16xf32>, vector<16xf32>, vector<16xf32>, vector<16xf32>, vector<16xf32>, vector<16xf32>)  : i32 {
        %get3A = arith.constant 0 : i32
        %get3A_368 = arith.index_cast %get3A : i32 to index
        %get3A_369 = arith.index_cast %scan3A_359 : i32 to index
        %get3A_370 = arith.constant 0 : index
        %get3A_371 = tpu.vector_load %arg6[%get3A_368, %get3A_369, %get3A_370] {strides = array<i32>} : memref<4x100x128xf32, #tpu.memory_space<vmem>>, vector<1x1x16xf32>,
        %get3A_372 = vector.shape_cast %get3A_371 : vector<1x1x16xf32> to vector<16xf32>
        %add3A_373 = arith.addf %scan3A_360, %get3A_372 : vector<16xf32>
        %get3A_374 = arith.constant 0 : i32
        %get3A_375 = arith.index_cast %get3A_374 : i32 to index
        %get3A_376 = arith.index_cast %scan3A_359 : i32 to index
        %get3A_377 = arith.constant 16 : index
        %get3A_378 = tpu.vector_load %arg6[%get3A_375, %get3A_376, %get3A_377] {strides = array<i32>} : memref<4x100x128xf32, #tpu.memory_space<vmem>>, vector<1x1x16xf32>,
        %get3A_379 = vector.shape_cast %get3A_378 : vector<1x1x16xf32> to vector<16xf32>
        %add3A_380 = arith.addf %scan3A_361, %get3A_379 : vector<16xf32>
        %get3A_381 = arith.constant 0 : i32
        %get3A_382 = arith.index_cast %get3A_381 : i32 to index
        %get3A_383 = arith.index_cast %scan3A_359 : i32 to index
        %get3A_384 = arith.constant 32 : index
        %get3A_385 = tpu.vector_load %arg6[%get3A_382, %get3A_383, %get3A_384] {strides = array<i32>} : memref<4x100x128xf32, #tpu.memory_space<vmem>>, vector<1x1x16xf32>,
        %get3A_386 = vector.shape_cast %get3A_385 : vector<1x1x16xf32> to vector<16xf32>
        %add3A_387 = arith.addf %scan3A_362, %get3A_386 : vector<16xf32>
        %get3A_388 = arith.constant 0 : i32
        %get3A_389 = arith.index_cast %get3A_388 : i32 to index
        %get3A_390 = arith.index_cast %scan3A_359 : i32 to index
        %get3A_391 = arith.constant 48 : index
        %get3A_392 = tpu.vector_load %arg6[%get3A_389, %get3A_390, %get3A_391] {strides = array<i32>} : memref<4x100x128xf32, #tpu.memory_space<vmem>>, vector<1x1x16xf32>,
        %get3A_393 = vector.shape_cast %get3A_392 : vector<1x1x16xf32> to vector<16xf32>
        %add3A_394 = arith.addf %scan3A_363, %get3A_393 : vector<16xf32>
        %get3A_395 = arith.constant 0 : i32
        %get3A_396 = arith.index_cast %get3A_395 : i32 to index
        %get3A_397 = arith.index_cast %scan3A_359 : i32 to index
        %get3A_398 = arith.constant 64 : index
        %get3A_399 = tpu.vector_load %arg6[%get3A_396, %get3A_397, %get3A_398] {strides = array<i32>} : memref<4x100x128xf32, #tpu.memory_space<vmem>>, vector<1x1x16xf32>,
        %get3A_400 = vector.shape_cast %get3A_399 : vector<1x1x16xf32> to vector<16xf32>
        %add3A_401 = arith.addf %scan3A_364, %get3A_400 : vector<16xf32>
        %get3A_402 = arith.constant 0 : i32
        %get3A_403 = arith.index_cast %get3A_402 : i32 to index
        %get3A_404 = arith.index_cast %scan3A_359 : i32 to index
        %get3A_405 = arith.constant 80 : index
        %get3A_406 = tpu.vector_load %arg6[%get3A_403, %get3A_404, %get3A_405] {strides = array<i32>} : memref<4x100x128xf32, #tpu.memory_space<vmem>>, vector<1x1x16xf32>,
        %get3A_407 = vector.shape_cast %get3A_406 : vector<1x1x16xf32> to vector<16xf32>
        %add3A_408 = arith.addf %scan3A_365, %get3A_407 : vector<16xf32>
        %get3A_409 = arith.constant 0 : i32
        %get3A_410 = arith.index_cast %get3A_409 : i32 to index
        %get3A_411 = arith.index_cast %scan3A_359 : i32 to index
        %get3A_412 = arith.constant 96 : index
        %get3A_413 = tpu.vector_load %arg6[%get3A_410, %get3A_411, %get3A_412] {strides = array<i32>} : memref<4x100x128xf32, #tpu.memory_space<vmem>>, vector<1x1x16xf32>,
        %get3A_414 = vector.shape_cast %get3A_413 : vector<1x1x16xf32> to vector<16xf32>
        %add3A_415 = arith.addf %scan3A_366, %get3A_414 : vector<16xf32>
        %get3A_416 = arith.constant 0 : i32
        %get3A_417 = arith.index_cast %get3A_416 : i32 to index
        %get3A_418 = arith.index_cast %scan3A_359 : i32 to index
        %get3A_419 = arith.constant 112 : index
        %get3A_420 = tpu.vector_load %arg6[%get3A_417, %get3A_418, %get3A_419] {strides = array<i32>} : memref<4x100x128xf32, #tpu.memory_space<vmem>>, vector<1x1x16xf32>,
        %get3A_421 = vector.shape_cast %get3A_420 : vector<1x1x16xf32> to vector<16xf32>
        %add3A_422 = arith.addf %scan3A_367, %get3A_421 : vector<16xf32>
        scf.yield %add3A_373, %add3A_380, %add3A_387, %add3A_394, %add3A_401, %add3A_408, %add3A_415, %add3A_422 : vector<16xf32>, vector<16xf32>, vector<16xf32>, vector<16xf32>, vector<16xf32>, vector<16xf32>, vector<16xf32>, vector<16xf32>
      }
      %scan3A_109 = arith.constant 100 : i32
      %add3A_110 = arith.constant 4 : i32
      %add3A_111 = arith.addi %add3A_90, %add3A_110 : i32
      %lt3A = arith.constant 256 : i32
      %lt3A_112 = arith.cmpi slt, %add3A_111, %lt3A : i32
      %convert_element_type3A = arith.extui %lt3A_112 : i1 to i32
      %cond3A = arith.constant 0 : i32
      %cond3A_113 = arith.cmpi ne, %convert_element_type3A, %cond3A : i32
      scf.if %cond3A_113 {
        %add3A_359 = arith.constant 4 : i32
        %add3A_360 = arith.addi %add3A_90, %add3A_359 : i32
        %dma_start3A_361 = arith.constant 0 : i32
        %dma_start3A_362 = arith.constant 0 : i32
        %dma_start3A_363 = arith.constant 0 : i32
        %dma_start3A_364 = arith.constant 0 : i32
        %dma_start3A_365 = tpu.memref_slice %arg6[%dma_start3A_361, %dma_start3A_363, %dma_start3A_364] : memref<4x100x128xf32, #tpu.memory_space<vmem>> -> memref<1x100x128xf32, #tpu.memory_space<vmem>>
        %dma_start3A_366 = tpu.memref_squeeze %dma_start3A_365 : memref<1x100x128xf32, #tpu.memory_space<vmem>> -> memref<100x128xf32, #tpu.memory_space<vmem>>
        %dma_start3A_367 = arith.constant 0 : i32
        %dma_start3A_368 = tpu.memref_slice %arg5[%add3A_360, %dma_start3A_367] : memref<256x100xi32, #tpu.memory_space<vmem>> -> memref<1x100xi32, #tpu.memory_space<vmem>>
        %dma_start3A_369 = tpu.memref_squeeze %dma_start3A_368 : memref<1x100xi32, #tpu.memory_space<vmem>> -> memref<100xi32, #tpu.memory_space<vmem>>
        %dma_start3A_370 = arith.constant 0 : i32
        %dma_start3A_371 = arith.constant 0 : i32
        %dma_start3A_372 = tpu.memref_slice %arg2[%dma_start3A_370, %dma_start3A_371] : memref<100000x128xf32, #tpu.memory_space<hbm>> -> memref<100000x128xf32, #tpu.memory_space<hbm>>
        %dma_start3A_373 = tpu.memref_slice %arg8[%dma_start3A_362] : memref<4x!tpu.dma_semaphore, #tpu.memory_space<semaphore_mem>> -> memref<1x!tpu.dma_semaphore, #tpu.memory_space<semaphore_mem>>
        %dma_start3A_374 = tpu.memref_squeeze %dma_start3A_373 : memref<1x!tpu.dma_semaphore, #tpu.memory_space<semaphore_mem>> -> memref<!tpu.dma_semaphore, #tpu.memory_space<semaphore_mem>>
        tpu.enqueue_indirect_dma source(%dma_start3A_372 : memref<100000x128xf32, #tpu.memory_space<hbm>>) target(%dma_start3A_366 : memref<100x128xf32, #tpu.memory_space<vmem>>) offsets(%dma_start3A_369 : memref<100xi32, #tpu.memory_space<vmem>>) semaphore(%dma_start3A_374 : memref<!tpu.dma_semaphore, #tpu.memory_space<semaphore_mem>>)
      } else {
      }
      %mul3A_114 = arith.constant 4 : i32
      %mul3A_115 = arith.muli %mul3A_114, %scan3A_70 : i32
      %add3A_116 = arith.constant 1 : i32
      %add3A_117 = arith.addi %mul3A_115, %add3A_116 : i32
      %dma_wait3A_118 = arith.constant 1 : i32
      %dma_wait3A_119 = arith.constant 1 : i32
      %dma_wait3A_120 = arith.constant 0 : i32
      %dma_wait3A_121 = arith.constant 0 : i32
      %dma_wait3A_122 = tpu.memref_slice %arg6[%dma_wait3A_118, %dma_wait3A_120, %dma_wait3A_121] : memref<4x100x128xf32, #tpu.memory_space<vmem>> -> memref<1x100x128xf32, #tpu.memory_space<vmem>>
      %dma_wait3A_123 = tpu.memref_squeeze %dma_wait3A_122 : memref<1x100x128xf32, #tpu.memory_space<vmem>> -> memref<100x128xf32, #tpu.memory_space<vmem>>
      %dma_wait3A_124 = arith.constant 0 : i32
      %dma_wait3A_125 = tpu.memref_slice %arg5[%add3A_117, %dma_wait3A_124] : memref<256x100xi32, #tpu.memory_space<vmem>> -> memref<1x100xi32, #tpu.memory_space<vmem>>
      %dma_wait3A_126 = tpu.memref_squeeze %dma_wait3A_125 : memref<1x100xi32, #tpu.memory_space<vmem>> -> memref<100xi32, #tpu.memory_space<vmem>>
      %dma_wait3A_127 = arith.constant 0 : i32
      %dma_wait3A_128 = arith.constant 0 : i32
      %dma_wait3A_129 = tpu.memref_slice %arg2[%dma_wait3A_127, %dma_wait3A_128] : memref<100000x128xf32, #tpu.memory_space<hbm>> -> memref<100000x128xf32, #tpu.memory_space<hbm>>
      %dma_wait3A_130 = tpu.memref_slice %arg8[%dma_wait3A_119] : memref<4x!tpu.dma_semaphore, #tpu.memory_space<semaphore_mem>> -> memref<1x!tpu.dma_semaphore, #tpu.memory_space<semaphore_mem>>
      %dma_wait3A_131 = tpu.memref_squeeze %dma_wait3A_130 : memref<1x!tpu.dma_semaphore, #tpu.memory_space<semaphore_mem>> -> memref<!tpu.dma_semaphore, #tpu.memory_space<semaphore_mem>>
      tpu.wait_indirect_dma semaphore(%dma_wait3A_131 : memref<!tpu.dma_semaphore, #tpu.memory_space<semaphore_mem>>) src(%dma_wait3A_129 : memref<100000x128xf32, #tpu.memory_space<hbm>>) dst(%dma_wait3A_123 : memref<100x128xf32, #tpu.memory_space<vmem>>)
      %scan3A_132 = arith.constant 0 : i32
      %scan3A_133 = arith.constant 100 : i32
      %scan3A_134 = arith.addi %scan3A_132, %scan3A_133 : i32
      %scan3A_135 = arith.constant 1 : i32
      %scan3A_136:8 = scf.for %scan3A_359 = %scan3A_132 to %scan3A_134 step %scan3A_135 iter_args(%scan3A_360 = %scan3A_108#0, %scan3A_361 = %scan3A_108#1, %scan3A_362 = %scan3A_108#2, %scan3A_363 = %scan3A_108#3, %scan3A_364 = %scan3A_108#4, %scan3A_365 = %scan3A_108#5, %scan3A_366 = %scan3A_108#6, %scan3A_367 = %scan3A_108#7) -> (vector<16xf32>, vector<16xf32>, vector<16xf32>, vector<16xf32>, vector<16xf32>, vector<16xf32>, vector<16xf32>, vector<16xf32>)  : i32 {
        %get3A = arith.constant 1 : i32
        %get3A_368 = arith.index_cast %get3A : i32 to index
        %get3A_369 = arith.index_cast %scan3A_359 : i32 to index
        %get3A_370 = arith.constant 0 : index
        %get3A_371 = tpu.vector_load %arg6[%get3A_368, %get3A_369, %get3A_370] {strides = array<i32>} : memref<4x100x128xf32, #tpu.memory_space<vmem>>, vector<1x1x16xf32>,
        %get3A_372 = vector.shape_cast %get3A_371 : vector<1x1x16xf32> to vector<16xf32>
        %add3A_373 = arith.addf %scan3A_360, %get3A_372 : vector<16xf32>
        %get3A_374 = arith.constant 1 : i32
        %get3A_375 = arith.index_cast %get3A_374 : i32 to index
        %get3A_376 = arith.index_cast %scan3A_359 : i32 to index
        %get3A_377 = arith.constant 16 : index
        %get3A_378 = tpu.vector_load %arg6[%get3A_375, %get3A_376, %get3A_377] {strides = array<i32>} : memref<4x100x128xf32, #tpu.memory_space<vmem>>, vector<1x1x16xf32>,
        %get3A_379 = vector.shape_cast %get3A_378 : vector<1x1x16xf32> to vector<16xf32>
        %add3A_380 = arith.addf %scan3A_361, %get3A_379 : vector<16xf32>
        %get3A_381 = arith.constant 1 : i32
        %get3A_382 = arith.index_cast %get3A_381 : i32 to index
        %get3A_383 = arith.index_cast %scan3A_359 : i32 to index
        %get3A_384 = arith.constant 32 : index
        %get3A_385 = tpu.vector_load %arg6[%get3A_382, %get3A_383, %get3A_384] {strides = array<i32>} : memref<4x100x128xf32, #tpu.memory_space<vmem>>, vector<1x1x16xf32>,
        %get3A_386 = vector.shape_cast %get3A_385 : vector<1x1x16xf32> to vector<16xf32>
        %add3A_387 = arith.addf %scan3A_362, %get3A_386 : vector<16xf32>
        %get3A_388 = arith.constant 1 : i32
        %get3A_389 = arith.index_cast %get3A_388 : i32 to index
        %get3A_390 = arith.index_cast %scan3A_359 : i32 to index
        %get3A_391 = arith.constant 48 : index
        %get3A_392 = tpu.vector_load %arg6[%get3A_389, %get3A_390, %get3A_391] {strides = array<i32>} : memref<4x100x128xf32, #tpu.memory_space<vmem>>, vector<1x1x16xf32>,
        %get3A_393 = vector.shape_cast %get3A_392 : vector<1x1x16xf32> to vector<16xf32>
        %add3A_394 = arith.addf %scan3A_363, %get3A_393 : vector<16xf32>
        %get3A_395 = arith.constant 1 : i32
        %get3A_396 = arith.index_cast %get3A_395 : i32 to index
        %get3A_397 = arith.index_cast %scan3A_359 : i32 to index
        %get3A_398 = arith.constant 64 : index
        %get3A_399 = tpu.vector_load %arg6[%get3A_396, %get3A_397, %get3A_398] {strides = array<i32>} : memref<4x100x128xf32, #tpu.memory_space<vmem>>, vector<1x1x16xf32>,
        %get3A_400 = vector.shape_cast %get3A_399 : vector<1x1x16xf32> to vector<16xf32>
        %add3A_401 = arith.addf %scan3A_364, %get3A_400 : vector<16xf32>
        %get3A_402 = arith.constant 1 : i32
        %get3A_403 = arith.index_cast %get3A_402 : i32 to index
        %get3A_404 = arith.index_cast %scan3A_359 : i32 to index
        %get3A_405 = arith.constant 80 : index
        %get3A_406 = tpu.vector_load %arg6[%get3A_403, %get3A_404, %get3A_405] {strides = array<i32>} : memref<4x100x128xf32, #tpu.memory_space<vmem>>, vector<1x1x16xf32>,
        %get3A_407 = vector.shape_cast %get3A_406 : vector<1x1x16xf32> to vector<16xf32>
        %add3A_408 = arith.addf %scan3A_365, %get3A_407 : vector<16xf32>
        %get3A_409 = arith.constant 1 : i32
        %get3A_410 = arith.index_cast %get3A_409 : i32 to index
        %get3A_411 = arith.index_cast %scan3A_359 : i32 to index
        %get3A_412 = arith.constant 96 : index
        %get3A_413 = tpu.vector_load %arg6[%get3A_410, %get3A_411, %get3A_412] {strides = array<i32>} : memref<4x100x128xf32, #tpu.memory_space<vmem>>, vector<1x1x16xf32>,
        %get3A_414 = vector.shape_cast %get3A_413 : vector<1x1x16xf32> to vector<16xf32>
        %add3A_415 = arith.addf %scan3A_366, %get3A_414 : vector<16xf32>
        %get3A_416 = arith.constant 1 : i32
        %get3A_417 = arith.index_cast %get3A_416 : i32 to index
        %get3A_418 = arith.index_cast %scan3A_359 : i32 to index
        %get3A_419 = arith.constant 112 : index
        %get3A_420 = tpu.vector_load %arg6[%get3A_417, %get3A_418, %get3A_419] {strides = array<i32>} : memref<4x100x128xf32, #tpu.memory_space<vmem>>, vector<1x1x16xf32>,
        %get3A_421 = vector.shape_cast %get3A_420 : vector<1x1x16xf32> to vector<16xf32>
        %add3A_422 = arith.addf %scan3A_367, %get3A_421 : vector<16xf32>
        scf.yield %add3A_373, %add3A_380, %add3A_387, %add3A_394, %add3A_401, %add3A_408, %add3A_415, %add3A_422 : vector<16xf32>, vector<16xf32>, vector<16xf32>, vector<16xf32>, vector<16xf32>, vector<16xf32>, vector<16xf32>, vector<16xf32>
      }
      %scan3A_137 = arith.constant 100 : i32
      %add3A_138 = arith.constant 4 : i32
      %add3A_139 = arith.addi %add3A_117, %add3A_138 : i32
      %lt3A_140 = arith.constant 256 : i32
      %lt3A_141 = arith.cmpi slt, %add3A_139, %lt3A_140 : i32
      %convert_element_type3A_142 = arith.extui %lt3A_141 : i1 to i32
      %cond3A_143 = arith.constant 0 : i32
      %cond3A_144 = arith.cmpi ne, %convert_element_type3A_142, %cond3A_143 : i32
      scf.if %cond3A_144 {
        %add3A_359 = arith.constant 4 : i32
        %add3A_360 = arith.addi %add3A_117, %add3A_359 : i32
        %dma_start3A_361 = arith.constant 1 : i32
        %dma_start3A_362 = arith.constant 1 : i32
        %dma_start3A_363 = arith.constant 0 : i32
        %dma_start3A_364 = arith.constant 0 : i32
        %dma_start3A_365 = tpu.memref_slice %arg6[%dma_start3A_361, %dma_start3A_363, %dma_start3A_364] : memref<4x100x128xf32, #tpu.memory_space<vmem>> -> memref<1x100x128xf32, #tpu.memory_space<vmem>>
        %dma_start3A_366 = tpu.memref_squeeze %dma_start3A_365 : memref<1x100x128xf32, #tpu.memory_space<vmem>> -> memref<100x128xf32, #tpu.memory_space<vmem>>
        %dma_start3A_367 = arith.constant 0 : i32
        %dma_start3A_368 = tpu.memref_slice %arg5[%add3A_360, %dma_start3A_367] : memref<256x100xi32, #tpu.memory_space<vmem>> -> memref<1x100xi32, #tpu.memory_space<vmem>>
        %dma_start3A_369 = tpu.memref_squeeze %dma_start3A_368 : memref<1x100xi32, #tpu.memory_space<vmem>> -> memref<100xi32, #tpu.memory_space<vmem>>
        %dma_start3A_370 = arith.constant 0 : i32
        %dma_start3A_371 = arith.constant 0 : i32
        %dma_start3A_372 = tpu.memref_slice %arg2[%dma_start3A_370, %dma_start3A_371] : memref<100000x128xf32, #tpu.memory_space<hbm>> -> memref<100000x128xf32, #tpu.memory_space<hbm>>
        %dma_start3A_373 = tpu.memref_slice %arg8[%dma_start3A_362] : memref<4x!tpu.dma_semaphore, #tpu.memory_space<semaphore_mem>> -> memref<1x!tpu.dma_semaphore, #tpu.memory_space<semaphore_mem>>
        %dma_start3A_374 = tpu.memref_squeeze %dma_start3A_373 : memref<1x!tpu.dma_semaphore, #tpu.memory_space<semaphore_mem>> -> memref<!tpu.dma_semaphore, #tpu.memory_space<semaphore_mem>>
        tpu.enqueue_indirect_dma source(%dma_start3A_372 : memref<100000x128xf32, #tpu.memory_space<hbm>>) target(%dma_start3A_366 : memref<100x128xf32, #tpu.memory_space<vmem>>) offsets(%dma_start3A_369 : memref<100xi32, #tpu.memory_space<vmem>>) semaphore(%dma_start3A_374 : memref<!tpu.dma_semaphore, #tpu.memory_space<semaphore_mem>>)
      } else {
      }
      %mul3A_145 = arith.constant 2 : i32
      %mul3A_146 = arith.muli %mul3A_145, %scan3A_70 : i32
      %add3A_147 = arith.constant 0 : i32
      %add3A_148 = arith.addi %mul3A_146, %add3A_147 : i32
      %mul3A_149 = arith.constant 5.000000e-03 : f32
      %mul3A_150 = vector.broadcast %mul3A_149 : f32 to vector<16xf32>
      %mul3A_151 = arith.mulf %scan3A_136#0, %mul3A_150 : vector<16xf32>
      %swap3A = arith.index_cast %add3A_148 : i32 to index
      %swap3A_152 = arith.constant 0 : index
      %swap3A_153 = tpu.vector_load %arg7[%swap3A, %swap3A_152] {strides = array<i32>} : memref<128x128xf32, #tpu.memory_space<vmem>>, vector<1x16xf32>,
      %swap3A_154 = vector.shape_cast %swap3A_153 : vector<1x16xf32> to vector<16xf32>
      %swap3A_155 = vector.shape_cast %mul3A_151 : vector<16xf32> to vector<1x16xf32>
      tpu.vector_store %arg7[%swap3A, %swap3A_152], %swap3A_155 {strides = array<i32>} : memref<128x128xf32, #tpu.memory_space<vmem>>, vector<1x16xf32>,
      %mul3A_156 = arith.constant 5.000000e-03 : f32
      %mul3A_157 = vector.broadcast %mul3A_156 : f32 to vector<16xf32>
      %mul3A_158 = arith.mulf %scan3A_136#1, %mul3A_157 : vector<16xf32>
      %swap3A_159 = arith.index_cast %add3A_148 : i32 to index
      %swap3A_160 = arith.constant 16 : index
      %swap3A_161 = tpu.vector_load %arg7[%swap3A_159, %swap3A_160] {strides = array<i32>} : memref<128x128xf32, #tpu.memory_space<vmem>>, vector<1x16xf32>,
      %swap3A_162 = vector.shape_cast %swap3A_161 : vector<1x16xf32> to vector<16xf32>
      %swap3A_163 = vector.shape_cast %mul3A_158 : vector<16xf32> to vector<1x16xf32>
      tpu.vector_store %arg7[%swap3A_159, %swap3A_160], %swap3A_163 {strides = array<i32>} : memref<128x128xf32, #tpu.memory_space<vmem>>, vector<1x16xf32>,
      %mul3A_164 = arith.constant 5.000000e-03 : f32
      %mul3A_165 = vector.broadcast %mul3A_164 : f32 to vector<16xf32>
      %mul3A_166 = arith.mulf %scan3A_136#2, %mul3A_165 : vector<16xf32>
      %swap3A_167 = arith.index_cast %add3A_148 : i32 to index
      %swap3A_168 = arith.constant 32 : index
      %swap3A_169 = tpu.vector_load %arg7[%swap3A_167, %swap3A_168] {strides = array<i32>} : memref<128x128xf32, #tpu.memory_space<vmem>>, vector<1x16xf32>,
      %swap3A_170 = vector.shape_cast %swap3A_169 : vector<1x16xf32> to vector<16xf32>
      %swap3A_171 = vector.shape_cast %mul3A_166 : vector<16xf32> to vector<1x16xf32>
      tpu.vector_store %arg7[%swap3A_167, %swap3A_168], %swap3A_171 {strides = array<i32>} : memref<128x128xf32, #tpu.memory_space<vmem>>, vector<1x16xf32>,
      %mul3A_172 = arith.constant 5.000000e-03 : f32
      %mul3A_173 = vector.broadcast %mul3A_172 : f32 to vector<16xf32>
      %mul3A_174 = arith.mulf %scan3A_136#3, %mul3A_173 : vector<16xf32>
      %swap3A_175 = arith.index_cast %add3A_148 : i32 to index
      %swap3A_176 = arith.constant 48 : index
      %swap3A_177 = tpu.vector_load %arg7[%swap3A_175, %swap3A_176] {strides = array<i32>} : memref<128x128xf32, #tpu.memory_space<vmem>>, vector<1x16xf32>,
      %swap3A_178 = vector.shape_cast %swap3A_177 : vector<1x16xf32> to vector<16xf32>
      %swap3A_179 = vector.shape_cast %mul3A_174 : vector<16xf32> to vector<1x16xf32>
      tpu.vector_store %arg7[%swap3A_175, %swap3A_176], %swap3A_179 {strides = array<i32>} : memref<128x128xf32, #tpu.memory_space<vmem>>, vector<1x16xf32>,
      %mul3A_180 = arith.constant 5.000000e-03 : f32
      %mul3A_181 = vector.broadcast %mul3A_180 : f32 to vector<16xf32>
      %mul3A_182 = arith.mulf %scan3A_136#4, %mul3A_181 : vector<16xf32>
      %swap3A_183 = arith.index_cast %add3A_148 : i32 to index
      %swap3A_184 = arith.constant 64 : index
      %swap3A_185 = tpu.vector_load %arg7[%swap3A_183, %swap3A_184] {strides = array<i32>} : memref<128x128xf32, #tpu.memory_space<vmem>>, vector<1x16xf32>,
      %swap3A_186 = vector.shape_cast %swap3A_185 : vector<1x16xf32> to vector<16xf32>
      %swap3A_187 = vector.shape_cast %mul3A_182 : vector<16xf32> to vector<1x16xf32>
      tpu.vector_store %arg7[%swap3A_183, %swap3A_184], %swap3A_187 {strides = array<i32>} : memref<128x128xf32, #tpu.memory_space<vmem>>, vector<1x16xf32>,
      %mul3A_188 = arith.constant 5.000000e-03 : f32
      %mul3A_189 = vector.broadcast %mul3A_188 : f32 to vector<16xf32>
      %mul3A_190 = arith.mulf %scan3A_136#5, %mul3A_189 : vector<16xf32>
      %swap3A_191 = arith.index_cast %add3A_148 : i32 to index
      %swap3A_192 = arith.constant 80 : index
      %swap3A_193 = tpu.vector_load %arg7[%swap3A_191, %swap3A_192] {strides = array<i32>} : memref<128x128xf32, #tpu.memory_space<vmem>>, vector<1x16xf32>,
      %swap3A_194 = vector.shape_cast %swap3A_193 : vector<1x16xf32> to vector<16xf32>
      %swap3A_195 = vector.shape_cast %mul3A_190 : vector<16xf32> to vector<1x16xf32>
      tpu.vector_store %arg7[%swap3A_191, %swap3A_192], %swap3A_195 {strides = array<i32>} : memref<128x128xf32, #tpu.memory_space<vmem>>, vector<1x16xf32>,
      %mul3A_196 = arith.constant 5.000000e-03 : f32
      %mul3A_197 = vector.broadcast %mul3A_196 : f32 to vector<16xf32>
      %mul3A_198 = arith.mulf %scan3A_136#6, %mul3A_197 : vector<16xf32>
      %swap3A_199 = arith.index_cast %add3A_148 : i32 to index
      %swap3A_200 = arith.constant 96 : index
      %swap3A_201 = tpu.vector_load %arg7[%swap3A_199, %swap3A_200] {strides = array<i32>} : memref<128x128xf32, #tpu.memory_space<vmem>>, vector<1x16xf32>,
      %swap3A_202 = vector.shape_cast %swap3A_201 : vector<1x16xf32> to vector<16xf32>
      %swap3A_203 = vector.shape_cast %mul3A_198 : vector<16xf32> to vector<1x16xf32>
      tpu.vector_store %arg7[%swap3A_199, %swap3A_200], %swap3A_203 {strides = array<i32>} : memref<128x128xf32, #tpu.memory_space<vmem>>, vector<1x16xf32>,
      %mul3A_204 = arith.constant 5.000000e-03 : f32
      %mul3A_205 = vector.broadcast %mul3A_204 : f32 to vector<16xf32>
      %mul3A_206 = arith.mulf %scan3A_136#7, %mul3A_205 : vector<16xf32>
      %swap3A_207 = arith.index_cast %add3A_148 : i32 to index
      %swap3A_208 = arith.constant 112 : index
      %swap3A_209 = tpu.vector_load %arg7[%swap3A_207, %swap3A_208] {strides = array<i32>} : memref<128x128xf32, #tpu.memory_space<vmem>>, vector<1x16xf32>,
      %swap3A_210 = vector.shape_cast %swap3A_209 : vector<1x16xf32> to vector<16xf32>
      %swap3A_211 = vector.shape_cast %mul3A_206 : vector<16xf32> to vector<1x16xf32>
      tpu.vector_store %arg7[%swap3A_207, %swap3A_208], %swap3A_211 {strides = array<i32>} : memref<128x128xf32, #tpu.memory_space<vmem>>, vector<1x16xf32>,
      %broadcast_in_dim3A_212 = arith.constant 0.000000e+00 : f32
      %broadcast_in_dim3A_213 = vector.broadcast %broadcast_in_dim3A_212 : f32 to vector<16xf32>
      %broadcast_in_dim3A_214 = arith.constant 0.000000e+00 : f32
      %broadcast_in_dim3A_215 = vector.broadcast %broadcast_in_dim3A_214 : f32 to vector<16xf32>
      %broadcast_in_dim3A_216 = arith.constant 0.000000e+00 : f32
      %broadcast_in_dim3A_217 = vector.broadcast %broadcast_in_dim3A_216 : f32 to vector<16xf32>
      %broadcast_in_dim3A_218 = arith.constant 0.000000e+00 : f32
      %broadcast_in_dim3A_219 = vector.broadcast %broadcast_in_dim3A_218 : f32 to vector<16xf32>
      %broadcast_in_dim3A_220 = arith.constant 0.000000e+00 : f32
      %broadcast_in_dim3A_221 = vector.broadcast %broadcast_in_dim3A_220 : f32 to vector<16xf32>
      %broadcast_in_dim3A_222 = arith.constant 0.000000e+00 : f32
      %broadcast_in_dim3A_223 = vector.broadcast %broadcast_in_dim3A_222 : f32 to vector<16xf32>
      %broadcast_in_dim3A_224 = arith.constant 0.000000e+00 : f32
      %broadcast_in_dim3A_225 = vector.broadcast %broadcast_in_dim3A_224 : f32 to vector<16xf32>
      %broadcast_in_dim3A_226 = arith.constant 0.000000e+00 : f32
      %broadcast_in_dim3A_227 = vector.broadcast %broadcast_in_dim3A_226 : f32 to vector<16xf32>
      %mul3A_228 = arith.constant 4 : i32
      %mul3A_229 = arith.muli %mul3A_228, %scan3A_70 : i32
      %add3A_230 = arith.constant 2 : i32
      %add3A_231 = arith.addi %mul3A_229, %add3A_230 : i32
      %dma_wait3A_232 = arith.constant 2 : i32
      %dma_wait3A_233 = arith.constant 2 : i32
      %dma_wait3A_234 = arith.constant 0 : i32
      %dma_wait3A_235 = arith.constant 0 : i32
      %dma_wait3A_236 = tpu.memref_slice %arg6[%dma_wait3A_232, %dma_wait3A_234, %dma_wait3A_235] : memref<4x100x128xf32, #tpu.memory_space<vmem>> -> memref<1x100x128xf32, #tpu.memory_space<vmem>>
      %dma_wait3A_237 = tpu.memref_squeeze %dma_wait3A_236 : memref<1x100x128xf32, #tpu.memory_space<vmem>> -> memref<100x128xf32, #tpu.memory_space<vmem>>
      %dma_wait3A_238 = arith.constant 0 : i32
      %dma_wait3A_239 = tpu.memref_slice %arg5[%add3A_231, %dma_wait3A_238] : memref<256x100xi32, #tpu.memory_space<vmem>> -> memref<1x100xi32, #tpu.memory_space<vmem>>
      %dma_wait3A_240 = tpu.memref_squeeze %dma_wait3A_239 : memref<1x100xi32, #tpu.memory_space<vmem>> -> memref<100xi32, #tpu.memory_space<vmem>>
      %dma_wait3A_241 = arith.constant 0 : i32
      %dma_wait3A_242 = arith.constant 0 : i32
      %dma_wait3A_243 = tpu.memref_slice %arg2[%dma_wait3A_241, %dma_wait3A_242] : memref<100000x128xf32, #tpu.memory_space<hbm>> -> memref<100000x128xf32, #tpu.memory_space<hbm>>
      %dma_wait3A_244 = tpu.memref_slice %arg8[%dma_wait3A_233] : memref<4x!tpu.dma_semaphore, #tpu.memory_space<semaphore_mem>> -> memref<1x!tpu.dma_semaphore, #tpu.memory_space<semaphore_mem>>
      %dma_wait3A_245 = tpu.memref_squeeze %dma_wait3A_244 : memref<1x!tpu.dma_semaphore, #tpu.memory_space<semaphore_mem>> -> memref<!tpu.dma_semaphore, #tpu.memory_space<semaphore_mem>>
      tpu.wait_indirect_dma semaphore(%dma_wait3A_245 : memref<!tpu.dma_semaphore, #tpu.memory_space<semaphore_mem>>) src(%dma_wait3A_243 : memref<100000x128xf32, #tpu.memory_space<hbm>>) dst(%dma_wait3A_237 : memref<100x128xf32, #tpu.memory_space<vmem>>)
      %scan3A_246 = arith.constant 0 : i32
      %scan3A_247 = arith.constant 100 : i32
      %scan3A_248 = arith.addi %scan3A_246, %scan3A_247 : i32
      %scan3A_249 = arith.constant 1 : i32
      %scan3A_250:8 = scf.for %scan3A_359 = %scan3A_246 to %scan3A_248 step %scan3A_249 iter_args(%scan3A_360 = %broadcast_in_dim3A_213, %scan3A_361 = %broadcast_in_dim3A_215, %scan3A_362 = %broadcast_in_dim3A_217, %scan3A_363 = %broadcast_in_dim3A_219, %scan3A_364 = %broadcast_in_dim3A_221, %scan3A_365 = %broadcast_in_dim3A_223, %scan3A_366 = %broadcast_in_dim3A_225, %scan3A_367 = %broadcast_in_dim3A_227) -> (vector<16xf32>, vector<16xf32>, vector<16xf32>, vector<16xf32>, vector<16xf32>, vector<16xf32>, vector<16xf32>, vector<16xf32>)  : i32 {
        %get3A = arith.constant 2 : i32
        %get3A_368 = arith.index_cast %get3A : i32 to index
        %get3A_369 = arith.index_cast %scan3A_359 : i32 to index
        %get3A_370 = arith.constant 0 : index
        %get3A_371 = tpu.vector_load %arg6[%get3A_368, %get3A_369, %get3A_370] {strides = array<i32>} : memref<4x100x128xf32, #tpu.memory_space<vmem>>, vector<1x1x16xf32>,
        %get3A_372 = vector.shape_cast %get3A_371 : vector<1x1x16xf32> to vector<16xf32>
        %add3A_373 = arith.addf %scan3A_360, %get3A_372 : vector<16xf32>
        %get3A_374 = arith.constant 2 : i32
        %get3A_375 = arith.index_cast %get3A_374 : i32 to index
        %get3A_376 = arith.index_cast %scan3A_359 : i32 to index
        %get3A_377 = arith.constant 16 : index
        %get3A_378 = tpu.vector_load %arg6[%get3A_375, %get3A_376, %get3A_377] {strides = array<i32>} : memref<4x100x128xf32, #tpu.memory_space<vmem>>, vector<1x1x16xf32>,
        %get3A_379 = vector.shape_cast %get3A_378 : vector<1x1x16xf32> to vector<16xf32>
        %add3A_380 = arith.addf %scan3A_361, %get3A_379 : vector<16xf32>
        %get3A_381 = arith.constant 2 : i32
        %get3A_382 = arith.index_cast %get3A_381 : i32 to index
        %get3A_383 = arith.index_cast %scan3A_359 : i32 to index
        %get3A_384 = arith.constant 32 : index
        %get3A_385 = tpu.vector_load %arg6[%get3A_382, %get3A_383, %get3A_384] {strides = array<i32>} : memref<4x100x128xf32, #tpu.memory_space<vmem>>, vector<1x1x16xf32>,
        %get3A_386 = vector.shape_cast %get3A_385 : vector<1x1x16xf32> to vector<16xf32>
        %add3A_387 = arith.addf %scan3A_362, %get3A_386 : vector<16xf32>
        %get3A_388 = arith.constant 2 : i32
        %get3A_389 = arith.index_cast %get3A_388 : i32 to index
        %get3A_390 = arith.index_cast %scan3A_359 : i32 to index
        %get3A_391 = arith.constant 48 : index
        %get3A_392 = tpu.vector_load %arg6[%get3A_389, %get3A_390, %get3A_391] {strides = array<i32>} : memref<4x100x128xf32, #tpu.memory_space<vmem>>, vector<1x1x16xf32>,
        %get3A_393 = vector.shape_cast %get3A_392 : vector<1x1x16xf32> to vector<16xf32>
        %add3A_394 = arith.addf %scan3A_363, %get3A_393 : vector<16xf32>
        %get3A_395 = arith.constant 2 : i32
        %get3A_396 = arith.index_cast %get3A_395 : i32 to index
        %get3A_397 = arith.index_cast %scan3A_359 : i32 to index
        %get3A_398 = arith.constant 64 : index
        %get3A_399 = tpu.vector_load %arg6[%get3A_396, %get3A_397, %get3A_398] {strides = array<i32>} : memref<4x100x128xf32, #tpu.memory_space<vmem>>, vector<1x1x16xf32>,
        %get3A_400 = vector.shape_cast %get3A_399 : vector<1x1x16xf32> to vector<16xf32>
        %add3A_401 = arith.addf %scan3A_364, %get3A_400 : vector<16xf32>
        %get3A_402 = arith.constant 2 : i32
        %get3A_403 = arith.index_cast %get3A_402 : i32 to index
        %get3A_404 = arith.index_cast %scan3A_359 : i32 to index
        %get3A_405 = arith.constant 80 : index
        %get3A_406 = tpu.vector_load %arg6[%get3A_403, %get3A_404, %get3A_405] {strides = array<i32>} : memref<4x100x128xf32, #tpu.memory_space<vmem>>, vector<1x1x16xf32>,
        %get3A_407 = vector.shape_cast %get3A_406 : vector<1x1x16xf32> to vector<16xf32>
        %add3A_408 = arith.addf %scan3A_365, %get3A_407 : vector<16xf32>
        %get3A_409 = arith.constant 2 : i32
        %get3A_410 = arith.index_cast %get3A_409 : i32 to index
        %get3A_411 = arith.index_cast %scan3A_359 : i32 to index
        %get3A_412 = arith.constant 96 : index
        %get3A_413 = tpu.vector_load %arg6[%get3A_410, %get3A_411, %get3A_412] {strides = array<i32>} : memref<4x100x128xf32, #tpu.memory_space<vmem>>, vector<1x1x16xf32>,
        %get3A_414 = vector.shape_cast %get3A_413 : vector<1x1x16xf32> to vector<16xf32>
        %add3A_415 = arith.addf %scan3A_366, %get3A_414 : vector<16xf32>
        %get3A_416 = arith.constant 2 : i32
        %get3A_417 = arith.index_cast %get3A_416 : i32 to index
        %get3A_418 = arith.index_cast %scan3A_359 : i32 to index
        %get3A_419 = arith.constant 112 : index
        %get3A_420 = tpu.vector_load %arg6[%get3A_417, %get3A_418, %get3A_419] {strides = array<i32>} : memref<4x100x128xf32, #tpu.memory_space<vmem>>, vector<1x1x16xf32>,
        %get3A_421 = vector.shape_cast %get3A_420 : vector<1x1x16xf32> to vector<16xf32>
        %add3A_422 = arith.addf %scan3A_367, %get3A_421 : vector<16xf32>
        scf.yield %add3A_373, %add3A_380, %add3A_387, %add3A_394, %add3A_401, %add3A_408, %add3A_415, %add3A_422 : vector<16xf32>, vector<16xf32>, vector<16xf32>, vector<16xf32>, vector<16xf32>, vector<16xf32>, vector<16xf32>, vector<16xf32>
      }
      %scan3A_251 = arith.constant 100 : i32
      %add3A_252 = arith.constant 4 : i32
      %add3A_253 = arith.addi %add3A_231, %add3A_252 : i32
      %lt3A_254 = arith.constant 256 : i32
      %lt3A_255 = arith.cmpi slt, %add3A_253, %lt3A_254 : i32
      %convert_element_type3A_256 = arith.extui %lt3A_255 : i1 to i32
      %cond3A_257 = arith.constant 0 : i32
      %cond3A_258 = arith.cmpi ne, %convert_element_type3A_256, %cond3A_257 : i32
      scf.if %cond3A_258 {
        %add3A_359 = arith.constant 4 : i32
        %add3A_360 = arith.addi %add3A_231, %add3A_359 : i32
        %dma_start3A_361 = arith.constant 2 : i32
        %dma_start3A_362 = arith.constant 2 : i32
        %dma_start3A_363 = arith.constant 0 : i32
        %dma_start3A_364 = arith.constant 0 : i32
        %dma_start3A_365 = tpu.memref_slice %arg6[%dma_start3A_361, %dma_start3A_363, %dma_start3A_364] : memref<4x100x128xf32, #tpu.memory_space<vmem>> -> memref<1x100x128xf32, #tpu.memory_space<vmem>>
        %dma_start3A_366 = tpu.memref_squeeze %dma_start3A_365 : memref<1x100x128xf32, #tpu.memory_space<vmem>> -> memref<100x128xf32, #tpu.memory_space<vmem>>
        %dma_start3A_367 = arith.constant 0 : i32
        %dma_start3A_368 = tpu.memref_slice %arg5[%add3A_360, %dma_start3A_367] : memref<256x100xi32, #tpu.memory_space<vmem>> -> memref<1x100xi32, #tpu.memory_space<vmem>>
        %dma_start3A_369 = tpu.memref_squeeze %dma_start3A_368 : memref<1x100xi32, #tpu.memory_space<vmem>> -> memref<100xi32, #tpu.memory_space<vmem>>
        %dma_start3A_370 = arith.constant 0 : i32
        %dma_start3A_371 = arith.constant 0 : i32
        %dma_start3A_372 = tpu.memref_slice %arg2[%dma_start3A_370, %dma_start3A_371] : memref<100000x128xf32, #tpu.memory_space<hbm>> -> memref<100000x128xf32, #tpu.memory_space<hbm>>
        %dma_start3A_373 = tpu.memref_slice %arg8[%dma_start3A_362] : memref<4x!tpu.dma_semaphore, #tpu.memory_space<semaphore_mem>> -> memref<1x!tpu.dma_semaphore, #tpu.memory_space<semaphore_mem>>
        %dma_start3A_374 = tpu.memref_squeeze %dma_start3A_373 : memref<1x!tpu.dma_semaphore, #tpu.memory_space<semaphore_mem>> -> memref<!tpu.dma_semaphore, #tpu.memory_space<semaphore_mem>>
        tpu.enqueue_indirect_dma source(%dma_start3A_372 : memref<100000x128xf32, #tpu.memory_space<hbm>>) target(%dma_start3A_366 : memref<100x128xf32, #tpu.memory_space<vmem>>) offsets(%dma_start3A_369 : memref<100xi32, #tpu.memory_space<vmem>>) semaphore(%dma_start3A_374 : memref<!tpu.dma_semaphore, #tpu.memory_space<semaphore_mem>>)
      } else {
      }
      %mul3A_259 = arith.constant 4 : i32
      %mul3A_260 = arith.muli %mul3A_259, %scan3A_70 : i32
      %add3A_261 = arith.constant 3 : i32
      %add3A_262 = arith.addi %mul3A_260, %add3A_261 : i32
      %dma_wait3A_263 = arith.constant 3 : i32
      %dma_wait3A_264 = arith.constant 3 : i32
      %dma_wait3A_265 = arith.constant 0 : i32
      %dma_wait3A_266 = arith.constant 0 : i32
      %dma_wait3A_267 = tpu.memref_slice %arg6[%dma_wait3A_263, %dma_wait3A_265, %dma_wait3A_266] : memref<4x100x128xf32, #tpu.memory_space<vmem>> -> memref<1x100x128xf32, #tpu.memory_space<vmem>>
      %dma_wait3A_268 = tpu.memref_squeeze %dma_wait3A_267 : memref<1x100x128xf32, #tpu.memory_space<vmem>> -> memref<100x128xf32, #tpu.memory_space<vmem>>
      %dma_wait3A_269 = arith.constant 0 : i32
      %dma_wait3A_270 = tpu.memref_slice %arg5[%add3A_262, %dma_wait3A_269] : memref<256x100xi32, #tpu.memory_space<vmem>> -> memref<1x100xi32, #tpu.memory_space<vmem>>
      %dma_wait3A_271 = tpu.memref_squeeze %dma_wait3A_270 : memref<1x100xi32, #tpu.memory_space<vmem>> -> memref<100xi32, #tpu.memory_space<vmem>>
      %dma_wait3A_272 = arith.constant 0 : i32
      %dma_wait3A_273 = arith.constant 0 : i32
      %dma_wait3A_274 = tpu.memref_slice %arg2[%dma_wait3A_272, %dma_wait3A_273] : memref<100000x128xf32, #tpu.memory_space<hbm>> -> memref<100000x128xf32, #tpu.memory_space<hbm>>
      %dma_wait3A_275 = tpu.memref_slice %arg8[%dma_wait3A_264] : memref<4x!tpu.dma_semaphore, #tpu.memory_space<semaphore_mem>> -> memref<1x!tpu.dma_semaphore, #tpu.memory_space<semaphore_mem>>
      %dma_wait3A_276 = tpu.memref_squeeze %dma_wait3A_275 : memref<1x!tpu.dma_semaphore, #tpu.memory_space<semaphore_mem>> -> memref<!tpu.dma_semaphore, #tpu.memory_space<semaphore_mem>>
      tpu.wait_indirect_dma semaphore(%dma_wait3A_276 : memref<!tpu.dma_semaphore, #tpu.memory_space<semaphore_mem>>) src(%dma_wait3A_274 : memref<100000x128xf32, #tpu.memory_space<hbm>>) dst(%dma_wait3A_268 : memref<100x128xf32, #tpu.memory_space<vmem>>)
      %scan3A_277 = arith.constant 0 : i32
      %scan3A_278 = arith.constant 100 : i32
      %scan3A_279 = arith.addi %scan3A_277, %scan3A_278 : i32
      %scan3A_280 = arith.constant 1 : i32
      %scan3A_281:8 = scf.for %scan3A_359 = %scan3A_277 to %scan3A_279 step %scan3A_280 iter_args(%scan3A_360 = %scan3A_250#0, %scan3A_361 = %scan3A_250#1, %scan3A_362 = %scan3A_250#2, %scan3A_363 = %scan3A_250#3, %scan3A_364 = %scan3A_250#4, %scan3A_365 = %scan3A_250#5, %scan3A_366 = %scan3A_250#6, %scan3A_367 = %scan3A_250#7) -> (vector<16xf32>, vector<16xf32>, vector<16xf32>, vector<16xf32>, vector<16xf32>, vector<16xf32>, vector<16xf32>, vector<16xf32>)  : i32 {
        %get3A = arith.constant 3 : i32
        %get3A_368 = arith.index_cast %get3A : i32 to index
        %get3A_369 = arith.index_cast %scan3A_359 : i32 to index
        %get3A_370 = arith.constant 0 : index
        %get3A_371 = tpu.vector_load %arg6[%get3A_368, %get3A_369, %get3A_370] {strides = array<i32>} : memref<4x100x128xf32, #tpu.memory_space<vmem>>, vector<1x1x16xf32>,
        %get3A_372 = vector.shape_cast %get3A_371 : vector<1x1x16xf32> to vector<16xf32>
        %add3A_373 = arith.addf %scan3A_360, %get3A_372 : vector<16xf32>
        %get3A_374 = arith.constant 3 : i32
        %get3A_375 = arith.index_cast %get3A_374 : i32 to index
        %get3A_376 = arith.index_cast %scan3A_359 : i32 to index
        %get3A_377 = arith.constant 16 : index
        %get3A_378 = tpu.vector_load %arg6[%get3A_375, %get3A_376, %get3A_377] {strides = array<i32>} : memref<4x100x128xf32, #tpu.memory_space<vmem>>, vector<1x1x16xf32>,
        %get3A_379 = vector.shape_cast %get3A_378 : vector<1x1x16xf32> to vector<16xf32>
        %add3A_380 = arith.addf %scan3A_361, %get3A_379 : vector<16xf32>
        %get3A_381 = arith.constant 3 : i32
        %get3A_382 = arith.index_cast %get3A_381 : i32 to index
        %get3A_383 = arith.index_cast %scan3A_359 : i32 to index
        %get3A_384 = arith.constant 32 : index
        %get3A_385 = tpu.vector_load %arg6[%get3A_382, %get3A_383, %get3A_384] {strides = array<i32>} : memref<4x100x128xf32, #tpu.memory_space<vmem>>, vector<1x1x16xf32>,
        %get3A_386 = vector.shape_cast %get3A_385 : vector<1x1x16xf32> to vector<16xf32>
        %add3A_387 = arith.addf %scan3A_362, %get3A_386 : vector<16xf32>
        %get3A_388 = arith.constant 3 : i32
        %get3A_389 = arith.index_cast %get3A_388 : i32 to index
        %get3A_390 = arith.index_cast %scan3A_359 : i32 to index
        %get3A_391 = arith.constant 48 : index
        %get3A_392 = tpu.vector_load %arg6[%get3A_389, %get3A_390, %get3A_391] {strides = array<i32>} : memref<4x100x128xf32, #tpu.memory_space<vmem>>, vector<1x1x16xf32>,
        %get3A_393 = vector.shape_cast %get3A_392 : vector<1x1x16xf32> to vector<16xf32>
        %add3A_394 = arith.addf %scan3A_363, %get3A_393 : vector<16xf32>
        %get3A_395 = arith.constant 3 : i32
        %get3A_396 = arith.index_cast %get3A_395 : i32 to index
        %get3A_397 = arith.index_cast %scan3A_359 : i32 to index
        %get3A_398 = arith.constant 64 : index
        %get3A_399 = tpu.vector_load %arg6[%get3A_396, %get3A_397, %get3A_398] {strides = array<i32>} : memref<4x100x128xf32, #tpu.memory_space<vmem>>, vector<1x1x16xf32>,
        %get3A_400 = vector.shape_cast %get3A_399 : vector<1x1x16xf32> to vector<16xf32>
        %add3A_401 = arith.addf %scan3A_364, %get3A_400 : vector<16xf32>
        %get3A_402 = arith.constant 3 : i32
        %get3A_403 = arith.index_cast %get3A_402 : i32 to index
        %get3A_404 = arith.index_cast %scan3A_359 : i32 to index
        %get3A_405 = arith.constant 80 : index
        %get3A_406 = tpu.vector_load %arg6[%get3A_403, %get3A_404, %get3A_405] {strides = array<i32>} : memref<4x100x128xf32, #tpu.memory_space<vmem>>, vector<1x1x16xf32>,
        %get3A_407 = vector.shape_cast %get3A_406 : vector<1x1x16xf32> to vector<16xf32>
        %add3A_408 = arith.addf %scan3A_365, %get3A_407 : vector<16xf32>
        %get3A_409 = arith.constant 3 : i32
        %get3A_410 = arith.index_cast %get3A_409 : i32 to index
        %get3A_411 = arith.index_cast %scan3A_359 : i32 to index
        %get3A_412 = arith.constant 96 : index
        %get3A_413 = tpu.vector_load %arg6[%get3A_410, %get3A_411, %get3A_412] {strides = array<i32>} : memref<4x100x128xf32, #tpu.memory_space<vmem>>, vector<1x1x16xf32>,
        %get3A_414 = vector.shape_cast %get3A_413 : vector<1x1x16xf32> to vector<16xf32>
        %add3A_415 = arith.addf %scan3A_366, %get3A_414 : vector<16xf32>
        %get3A_416 = arith.constant 3 : i32
        %get3A_417 = arith.index_cast %get3A_416 : i32 to index
        %get3A_418 = arith.index_cast %scan3A_359 : i32 to index
        %get3A_419 = arith.constant 112 : index
        %get3A_420 = tpu.vector_load %arg6[%get3A_417, %get3A_418, %get3A_419] {strides = array<i32>} : memref<4x100x128xf32, #tpu.memory_space<vmem>>, vector<1x1x16xf32>,
        %get3A_421 = vector.shape_cast %get3A_420 : vector<1x1x16xf32> to vector<16xf32>
        %add3A_422 = arith.addf %scan3A_367, %get3A_421 : vector<16xf32>
        scf.yield %add3A_373, %add3A_380, %add3A_387, %add3A_394, %add3A_401, %add3A_408, %add3A_415, %add3A_422 : vector<16xf32>, vector<16xf32>, vector<16xf32>, vector<16xf32>, vector<16xf32>, vector<16xf32>, vector<16xf32>, vector<16xf32>
      }
      %scan3A_282 = arith.constant 100 : i32
      %add3A_283 = arith.constant 4 : i32
      %add3A_284 = arith.addi %add3A_262, %add3A_283 : i32
      %lt3A_285 = arith.constant 256 : i32
      %lt3A_286 = arith.cmpi slt, %add3A_284, %lt3A_285 : i32
      %convert_element_type3A_287 = arith.extui %lt3A_286 : i1 to i32
      %cond3A_288 = arith.constant 0 : i32
      %cond3A_289 = arith.cmpi ne, %convert_element_type3A_287, %cond3A_288 : i32
      scf.if %cond3A_289 {
        %add3A_359 = arith.constant 4 : i32
        %add3A_360 = arith.addi %add3A_262, %add3A_359 : i32
        %dma_start3A_361 = arith.constant 3 : i32
        %dma_start3A_362 = arith.constant 3 : i32
        %dma_start3A_363 = arith.constant 0 : i32
        %dma_start3A_364 = arith.constant 0 : i32
        %dma_start3A_365 = tpu.memref_slice %arg6[%dma_start3A_361, %dma_start3A_363, %dma_start3A_364] : memref<4x100x128xf32, #tpu.memory_space<vmem>> -> memref<1x100x128xf32, #tpu.memory_space<vmem>>
        %dma_start3A_366 = tpu.memref_squeeze %dma_start3A_365 : memref<1x100x128xf32, #tpu.memory_space<vmem>> -> memref<100x128xf32, #tpu.memory_space<vmem>>
        %dma_start3A_367 = arith.constant 0 : i32
        %dma_start3A_368 = tpu.memref_slice %arg5[%add3A_360, %dma_start3A_367] : memref<256x100xi32, #tpu.memory_space<vmem>> -> memref<1x100xi32, #tpu.memory_space<vmem>>
        %dma_start3A_369 = tpu.memref_squeeze %dma_start3A_368 : memref<1x100xi32, #tpu.memory_space<vmem>> -> memref<100xi32, #tpu.memory_space<vmem>>
        %dma_start3A_370 = arith.constant 0 : i32
        %dma_start3A_371 = arith.constant 0 : i32
        %dma_start3A_372 = tpu.memref_slice %arg2[%dma_start3A_370, %dma_start3A_371] : memref<100000x128xf32, #tpu.memory_space<hbm>> -> memref<100000x128xf32, #tpu.memory_space<hbm>>
        %dma_start3A_373 = tpu.memref_slice %arg8[%dma_start3A_362] : memref<4x!tpu.dma_semaphore, #tpu.memory_space<semaphore_mem>> -> memref<1x!tpu.dma_semaphore, #tpu.memory_space<semaphore_mem>>
        %dma_start3A_374 = tpu.memref_squeeze %dma_start3A_373 : memref<1x!tpu.dma_semaphore, #tpu.memory_space<semaphore_mem>> -> memref<!tpu.dma_semaphore, #tpu.memory_space<semaphore_mem>>
        tpu.enqueue_indirect_dma source(%dma_start3A_372 : memref<100000x128xf32, #tpu.memory_space<hbm>>) target(%dma_start3A_366 : memref<100x128xf32, #tpu.memory_space<vmem>>) offsets(%dma_start3A_369 : memref<100xi32, #tpu.memory_space<vmem>>) semaphore(%dma_start3A_374 : memref<!tpu.dma_semaphore, #tpu.memory_space<semaphore_mem>>)
      } else {
      }
      %mul3A_290 = arith.constant 2 : i32
      %mul3A_291 = arith.muli %mul3A_290, %scan3A_70 : i32
      %add3A_292 = arith.constant 1 : i32
      %add3A_293 = arith.addi %mul3A_291, %add3A_292 : i32
      %mul3A_294 = arith.constant 5.000000e-03 : f32
      %mul3A_295 = vector.broadcast %mul3A_294 : f32 to vector<16xf32>
      %mul3A_296 = arith.mulf %scan3A_281#0, %mul3A_295 : vector<16xf32>
      %swap3A_297 = arith.index_cast %add3A_293 : i32 to index
      %swap3A_298 = arith.constant 0 : index
      %swap3A_299 = tpu.vector_load %arg7[%swap3A_297, %swap3A_298] {strides = array<i32>} : memref<128x128xf32, #tpu.memory_space<vmem>>, vector<1x16xf32>,
      %swap3A_300 = vector.shape_cast %swap3A_299 : vector<1x16xf32> to vector<16xf32>
      %swap3A_301 = vector.shape_cast %mul3A_296 : vector<16xf32> to vector<1x16xf32>
      tpu.vector_store %arg7[%swap3A_297, %swap3A_298], %swap3A_301 {strides = array<i32>} : memref<128x128xf32, #tpu.memory_space<vmem>>, vector<1x16xf32>,
      %mul3A_302 = arith.constant 5.000000e-03 : f32
      %mul3A_303 = vector.broadcast %mul3A_302 : f32 to vector<16xf32>
      %mul3A_304 = arith.mulf %scan3A_281#1, %mul3A_303 : vector<16xf32>
      %swap3A_305 = arith.index_cast %add3A_293 : i32 to index
      %swap3A_306 = arith.constant 16 : index
      %swap3A_307 = tpu.vector_load %arg7[%swap3A_305, %swap3A_306] {strides = array<i32>} : memref<128x128xf32, #tpu.memory_space<vmem>>, vector<1x16xf32>,
      %swap3A_308 = vector.shape_cast %swap3A_307 : vector<1x16xf32> to vector<16xf32>
      %swap3A_309 = vector.shape_cast %mul3A_304 : vector<16xf32> to vector<1x16xf32>
      tpu.vector_store %arg7[%swap3A_305, %swap3A_306], %swap3A_309 {strides = array<i32>} : memref<128x128xf32, #tpu.memory_space<vmem>>, vector<1x16xf32>,
      %mul3A_310 = arith.constant 5.000000e-03 : f32
      %mul3A_311 = vector.broadcast %mul3A_310 : f32 to vector<16xf32>
      %mul3A_312 = arith.mulf %scan3A_281#2, %mul3A_311 : vector<16xf32>
      %swap3A_313 = arith.index_cast %add3A_293 : i32 to index
      %swap3A_314 = arith.constant 32 : index
      %swap3A_315 = tpu.vector_load %arg7[%swap3A_313, %swap3A_314] {strides = array<i32>} : memref<128x128xf32, #tpu.memory_space<vmem>>, vector<1x16xf32>,
      %swap3A_316 = vector.shape_cast %swap3A_315 : vector<1x16xf32> to vector<16xf32>
      %swap3A_317 = vector.shape_cast %mul3A_312 : vector<16xf32> to vector<1x16xf32>
      tpu.vector_store %arg7[%swap3A_313, %swap3A_314], %swap3A_317 {strides = array<i32>} : memref<128x128xf32, #tpu.memory_space<vmem>>, vector<1x16xf32>,
      %mul3A_318 = arith.constant 5.000000e-03 : f32
      %mul3A_319 = vector.broadcast %mul3A_318 : f32 to vector<16xf32>
      %mul3A_320 = arith.mulf %scan3A_281#3, %mul3A_319 : vector<16xf32>
      %swap3A_321 = arith.index_cast %add3A_293 : i32 to index
      %swap3A_322 = arith.constant 48 : index
      %swap3A_323 = tpu.vector_load %arg7[%swap3A_321, %swap3A_322] {strides = array<i32>} : memref<128x128xf32, #tpu.memory_space<vmem>>, vector<1x16xf32>,
      %swap3A_324 = vector.shape_cast %swap3A_323 : vector<1x16xf32> to vector<16xf32>
      %swap3A_325 = vector.shape_cast %mul3A_320 : vector<16xf32> to vector<1x16xf32>
      tpu.vector_store %arg7[%swap3A_321, %swap3A_322], %swap3A_325 {strides = array<i32>} : memref<128x128xf32, #tpu.memory_space<vmem>>, vector<1x16xf32>,
      %mul3A_326 = arith.constant 5.000000e-03 : f32
      %mul3A_327 = vector.broadcast %mul3A_326 : f32 to vector<16xf32>
      %mul3A_328 = arith.mulf %scan3A_281#4, %mul3A_327 : vector<16xf32>
      %swap3A_329 = arith.index_cast %add3A_293 : i32 to index
      %swap3A_330 = arith.constant 64 : index
      %swap3A_331 = tpu.vector_load %arg7[%swap3A_329, %swap3A_330] {strides = array<i32>} : memref<128x128xf32, #tpu.memory_space<vmem>>, vector<1x16xf32>,
      %swap3A_332 = vector.shape_cast %swap3A_331 : vector<1x16xf32> to vector<16xf32>
      %swap3A_333 = vector.shape_cast %mul3A_328 : vector<16xf32> to vector<1x16xf32>
      tpu.vector_store %arg7[%swap3A_329, %swap3A_330], %swap3A_333 {strides = array<i32>} : memref<128x128xf32, #tpu.memory_space<vmem>>, vector<1x16xf32>,
      %mul3A_334 = arith.constant 5.000000e-03 : f32
      %mul3A_335 = vector.broadcast %mul3A_334 : f32 to vector<16xf32>
      %mul3A_336 = arith.mulf %scan3A_281#5, %mul3A_335 : vector<16xf32>
      %swap3A_337 = arith.index_cast %add3A_293 : i32 to index
      %swap3A_338 = arith.constant 80 : index
      %swap3A_339 = tpu.vector_load %arg7[%swap3A_337, %swap3A_338] {strides = array<i32>} : memref<128x128xf32, #tpu.memory_space<vmem>>, vector<1x16xf32>,
      %swap3A_340 = vector.shape_cast %swap3A_339 : vector<1x16xf32> to vector<16xf32>
      %swap3A_341 = vector.shape_cast %mul3A_336 : vector<16xf32> to vector<1x16xf32>
      tpu.vector_store %arg7[%swap3A_337, %swap3A_338], %swap3A_341 {strides = array<i32>} : memref<128x128xf32, #tpu.memory_space<vmem>>, vector<1x16xf32>,
      %mul3A_342 = arith.constant 5.000000e-03 : f32
      %mul3A_343 = vector.broadcast %mul3A_342 : f32 to vector<16xf32>
      %mul3A_344 = arith.mulf %scan3A_281#6, %mul3A_343 : vector<16xf32>
      %swap3A_345 = arith.index_cast %add3A_293 : i32 to index
      %swap3A_346 = arith.constant 96 : index
      %swap3A_347 = tpu.vector_load %arg7[%swap3A_345, %swap3A_346] {strides = array<i32>} : memref<128x128xf32, #tpu.memory_space<vmem>>, vector<1x16xf32>,
      %swap3A_348 = vector.shape_cast %swap3A_347 : vector<1x16xf32> to vector<16xf32>
      %swap3A_349 = vector.shape_cast %mul3A_344 : vector<16xf32> to vector<1x16xf32>
      tpu.vector_store %arg7[%swap3A_345, %swap3A_346], %swap3A_349 {strides = array<i32>} : memref<128x128xf32, #tpu.memory_space<vmem>>, vector<1x16xf32>,
      %mul3A_350 = arith.constant 5.000000e-03 : f32
      %mul3A_351 = vector.broadcast %mul3A_350 : f32 to vector<16xf32>
      %mul3A_352 = arith.mulf %scan3A_281#7, %mul3A_351 : vector<16xf32>
      %swap3A_353 = arith.index_cast %add3A_293 : i32 to index
      %swap3A_354 = arith.constant 112 : index
      %swap3A_355 = tpu.vector_load %arg7[%swap3A_353, %swap3A_354] {strides = array<i32>} : memref<128x128xf32, #tpu.memory_space<vmem>>, vector<1x16xf32>,
      %swap3A_356 = vector.shape_cast %swap3A_355 : vector<1x16xf32> to vector<16xf32>
      %swap3A_357 = vector.shape_cast %mul3A_352 : vector<16xf32> to vector<1x16xf32>
      tpu.vector_store %arg7[%swap3A_353, %swap3A_354], %swap3A_357 {strides = array<i32>} : memref<128x128xf32, #tpu.memory_space<vmem>>, vector<1x16xf32>,
      %scan3A_358 = arith.constant 0 : i32
      scf.yield %scan3A_358 : i32
    }
    %scan3A_69 = arith.constant 64 : i32
    "tpu.region"() ({
      %run_scoped3A = tpu.sem_alloc : memref<!tpu.dma_semaphore, #tpu.memory_space<semaphore_mem>>
      %dma_start3A_70 = arith.constant 0 : i32
      %dma_start3A_71 = tpu.memref_slice %arg4[%mul3A_4, %dma_start3A_70] : memref<4096x128xf32, #tpu.memory_space<hbm>> -> memref<128x128xf32, #tpu.memory_space<hbm>>
      %dma_start3A_72 = arith.constant 0 : i32
      %dma_start3A_73 = tpu.memref_slice %arg4[%mul3A_4, %dma_start3A_72] : memref<4096x128xf32, #tpu.memory_space<hbm>> -> memref<128x128xf32, #tpu.memory_space<hbm>>
      tpu.enqueue_dma source(%arg7 : memref<128x128xf32, #tpu.memory_space<vmem>>) target(%dma_start3A_73 : memref<128x128xf32, #tpu.memory_space<hbm>>) target_semaphore(%run_scoped3A : memref<!tpu.dma_semaphore, #tpu.memory_space<semaphore_mem>>)
      %dma_wait3A = arith.constant 0 : i32
      %dma_wait3A_74 = tpu.memref_slice %arg4[%mul3A_4, %dma_wait3A] : memref<4096x128xf32, #tpu.memory_space<hbm>> -> memref<128x128xf32, #tpu.memory_space<hbm>>
      %dma_wait3A_75 = arith.constant 0 : i32
      %dma_wait3A_76 = tpu.memref_slice %arg4[%mul3A_4, %dma_wait3A_75] : memref<4096x128xf32, #tpu.memory_space<hbm>> -> memref<128x128xf32, #tpu.memory_space<hbm>>
      tpu.wait_dma2 semaphore(%run_scoped3A : memref<!tpu.dma_semaphore, #tpu.memory_space<semaphore_mem>>) src(%arg7 : memref<128x128xf32, #tpu.memory_space<vmem>>) dst(%dma_wait3A_76 : memref<128x128xf32, #tpu.memory_space<hbm>>)
      tpu.yield
    }) : () -> ()
    return
  }
}

</mosaic_0001>

<sc_bundles>
// kernel: _sc_pool.3.cloned.1.call-start
scs
__scs_entry_jumppad:
0x0: {  	(pc) =	sbr.rel $0x88, $3  }
0x1: {  	(tag) =	ssettag $0x0;
	lr =	simm.s32 $0x1  }
0x2: {  	[smem:$0x3F9F] =	sst lr;
	_ =	strace $0xD0000000  }
0x3: {  	_ = 	snop  }
0x4: {  	_ = 	snop  }
0x5: {  	_ = 	snop  }
0x6: {  	_ = 	snop  }
0x7: {  	_ = 	snop  }
__scs_overlays_trampoline_lowered:
0x8: {  	[smem:$0x3FAE] =	sst s0  }
0x9: {  	[smem:$0x3FAF] =	sst s1  }
0xa: {  	[smem:$0x3FB0] =	sst s2  }
0xb: {  	[smem:$0x3FB1] =	sst s3  }
0xc: {  	[smem:$0x3FB2] =	sst s4  }
0xd: {  	[smem:$0x3FB3] =	sst s5  }
0xe: {  	[smem:$0x3FB4] =	sst s6  }
0xf: {  	[smem:$0x3FB5] =	sst s7  }
0x10: {  	[smem:$0x3FB6] =	sst s8  }
0x11: {  	[smem:$0x3FB7] =	sst s9;
	s0 =	simm.s32 @!p0 $0x0  }
0x12: {  	s1 =	sld [smem:$0x3F9D];
	s0 =	simm.s32 @p0 $0x1  }
0x13: {  	[smem:$0x3FB8] =	sst s0;
	s0 =	simm.s32 @!p1 $0x0  }
0x14: {  	s2 =	sld [smem:$0x3F9C];
	s0 =	simm.s32 @p1 $0x1  }
0x15: {  	[smem:$0x3FB9] =	sst s0;
	s0 =	simm.s32 @!p2 $0x0  }
0x16: {  	s3 =	sld [smem:$0x3FDB];
	s0 =	simm.s32 @p2 $0x1  }
0x17: {  	s4 =	simm.s32 $0x1BF5;
	[smem:$0x3FBB] =	sst s0  }
0x18: {  	s0 =	sld [smem:$0x3F9E];
	_ =	swait.ge [sflag:s4], $0x0  }
0x19: {  	s7 =	sld [smem:$0x3F9F]  }
0x1a: {  	s8 =	sadd.s32 $0xFFFFE003, lr  }
0x1b: {  	s9 =	sadd.s32 $0xFFFFFEF7, lr;
	s5 =	simm.s32 $0xFFFFFFFF;
	p2 =	slt.u32 s8, $0xFFFFF086  }
0x1c: {  	p1 =	slt.u32 s9, $0xF7A;
	s5 =	simm.s32 @!p2 $0x0  }
0x1d: {  	s5 =	simm.s32 @p1 $0x1;
	p0 =	seq.s32 s7, s2  }
0x1e: {  	s7 =	smul.u32 @!p0 $0xF7A, s2;
	p2 =	seq.s32 @!p0 s5, $0x0  }
0x1f: {  	s9 =	smul.u32 $0xF7A, s1;
	s8 =	simm.s32 @!p0 $0x1BF5;
	p2 =	por !p2, p0  }
0x20: {  	[sflag:s8] =	ssyncset.s32 @!p0 $0xFFFFF086;
	s6 =	sadd.s32 @!p0 s3, s7;
	s7 =	simm.s32 @!p0 $0x108  }
0x21: {  	s3 =	sadd.s32 s3, s9;
	s6 =	sadd.s32 @!p0 $0x88, s6;
	s7 =	simm.s32 @p2 $0x1082  }
0x22: {  	[simem:s7], [sflag:s8] =	dma.local @!p0 [hbm:s6], $0xF7A  }
0x23: {  	s9 =	sor.u32 $0xD0000000, s2;
	s6 =	simm.s32 $0x108;
	_ =	swait.ge @!p0 [sflag:s8], $0x0  }
0x24: {  	s3 =	sadd.s32 $0x88, s3;
	s6 =	simm.s32 @!p1 $0x1082;
	[sflag:s4] =	ssyncset.s32 $0xFFFFF086  }
0x25: {  	[simem:s6], [sflag:s4] =	dma.local [hbm:s3], $0xF7A  }
0x26: {  	[smem:$0x3F9F] =	sst s1;
	(tag) =	ssettag s2;
	_ =	strace s9  }
0x27: {  	s1 =	sld [smem:$0x3FAF]  }
0x28: {  	s2 =	sld [smem:$0x3FB0]  }
0x29: {  	s4 =	sld [smem:$0x3FB2]  }
0x2a: {  	p0 =	seq.s32 s5, $0x0;
	s5 =	sld [smem:$0x3FB3]  }
0x2b: {  	s6 =	sld [smem:$0x3FB4]  }
0x2c: {  	s7 =	sld [smem:$0x3FB5]  }
0x2d: {  	s3 =	simm.s32 $0x108;
	s8 =	sld [smem:$0x3FB6]  }
0x2e: {  	s3 =	simm.s32 @!p0 $0x1082;
	s9 =	sld [smem:$0x3FB7]  }
0x2f: {  	lr =	sadd.s32 s0, s3;
	s0 =	sld [smem:$0x3FAE]  }
0x30: {  	s3 =	sld [smem:$0x3FB1]  }
0x31: {  	[smem:$0x3FBA] =	sst s10  }
0x32: {  	s10 =	sld [smem:$0x3FB8];
	_ =	sdelay $0x3  }
0x33: {  	p0 =	seq.s32 s10, $0x1;
	s10 =	sld [smem:$0x3FBA];
	_ =	sdelay $0x3  }
0x34: {  	[smem:$0x3FBA] =	sst s10  }
0x35: {  	s10 =	sld [smem:$0x3FB9];
	_ =	sdelay $0x3  }
0x36: {  	p1 =	seq.s32 s10, $0x1;
	s10 =	sld [smem:$0x3FBA];
	_ =	sdelay $0x3  }
0x37: {  	[smem:$0x3FBA] =	sst s10  }
0x38: {  	s10 =	sld [smem:$0x3FBB]  }
0x39: {  	_ = 	snop;
	(pc) =	sbr.ind lr, $3  }
0x3a: {  	_ = 	snop  }
0x3b: {  	_ = 	snop  }
0x3c: {  	p2 =	seq.s32 s10, $0x1;
	s10 =	sld [smem:$0x3FBA]  }
0x3d: {  	_ =	shalt  }
0x3e: {  	_ =	shalt  }
0x3f: {  	_ =	shalt  }
0x40: {  	_ =	shalt  }
0x41: {  	_ =	shalt  }
0x42: {  	_ =	shalt  }
0x43: {  	_ =	shalt  }
0x44: {  	_ =	shalt  }
0x45: {  	_ =	shalt  }
0x46: {  	_ =	shalt  }
0x47: {  	_ =	shalt  }
0x48: {  	_ =	shalt  }
0x49: {  	_ =	shalt  }
0x4a: {  	_ =	shalt  }
0x4b: {  	_ =	shalt  }
0x4c: {  	_ =	shalt  }
0x4d: {  	_ =	shalt  }
0x4e: {  	_ =	shalt  }
0x4f: {  	_ =	shalt  }
0x50: {  	_ =	shalt  }
0x51: {  	_ =	shalt  }
0x52: {  	_ =	shalt  }
0x53: {  	_ =	shalt  }
0x54: {  	_ =	shalt  }
0x55: {  	_ =	shalt  }
0x56: {  	_ =	shalt  }
0x57: {  	_ =	shalt  }
0x58: {  	_ =	shalt  }
0x59: {  	_ =	shalt  }
0x5a: {  	_ =	shalt  }
0x5b: {  	_ =	shalt  }
0x5c: {  	_ =	shalt  }
0x5d: {  	_ =	shalt  }
0x5e: {  	_ =	shalt  }
0x5f: {  	_ =	shalt  }
0x60: {  	_ =	shalt  }
0x61: {  	_ =	shalt  }
0x62: {  	_ =	shalt  }
0x63: {  	_ =	shalt  }
0x64: {  	_ =	shalt  }
0x65: {  	_ =	shalt  }
0x66: {  	_ =	shalt  }
0x67: {  	_ =	shalt  }
0x68: {  	_ =	shalt  }
0x69: {  	_ =	shalt  }
0x6a: {  	_ =	shalt  }
0x6b: {  	_ =	shalt  }
0x6c: {  	_ =	shalt  }
0x6d: {  	_ =	shalt  }
0x6e: {  	_ =	shalt  }
0x6f: {  	_ =	shalt  }
0x70: {  	_ =	shalt  }
0x71: {  	_ =	shalt  }
0x72: {  	_ =	shalt  }
0x73: {  	_ =	shalt  }
0x74: {  	_ =	shalt  }
0x75: {  	_ =	shalt  }
0x76: {  	_ =	shalt  }
0x77: {  	_ =	shalt  }
0x78: {  	_ =	shalt  }
0x79: {  	_ =	shalt  }
0x7a: {  	_ =	shalt  }
0x7b: {  	_ =	shalt  }
0x7c: {  	_ =	shalt  }
0x7d: {  	_ =	shalt  }
0x7e: {  	_ =	shalt  }
0x7f: {  	_ =	shalt  }
0x80: {  	_ =	shalt  }
0x81: {  	_ =	shalt  }
0x82: {  	_ =	shalt  }
0x83: {  	_ =	shalt  }
0x84: {  	_ =	shalt  }
0x85: {  	_ =	shalt  }
0x86: {  	_ =	shalt  }
0x87: {  	_ =	shalt  }
.Lfunc_end0:
.L_simem_size_0:
called_computation_lowered:
.L_overlay_start_0:
0x88: {  	s2 =	sld [smem:$0x3FD9]  }
0x89: {  	s3 =	sld [smem:$0x3FFE];
	_ =	sdelay $0x1  }
0x8a: {  	s1 =	srdreg.scid  }
0x8b: {  	s0 =	sand.u32 $0x1, s1  }
0x8c: {  	s17 =	sshll.u32 s0, $0xA;
	s2 =	sadd.s32 s3, s2  }
0x8d: {  	s2 =	sadd.s32 s2, s17  }
0x8e: {  	[smem:$0x3FC6] =	sst s2  }
0x8f: {  	_ = 	snop  }
0x90: {  	s2 =	sld [smem:$0x3FC9]  }
0x91: {  	s18 =	sld [smem:$0x3FD0];
	(tm) =	ssettm $0x1  }
0x92: {  	s4 =	sld [smem:$0x3FFB];
	_ =	sdelay $0x3  }
0x93: {  	_ =	strace s4  }
0x94: {  	s4 =	sld [smem:$0x3FFC];
	_ =	sdelay $0x3  }
0x95: {  	_ =	strace s4  }
0x96: {  	s4 =	sld [smem:$0x3FFD];
	_ =	sdelay $0x3  }
0x97: {  	_ =	strace s4  }
0x98: {  	_ =	strace $0x8FFFFFFF  }
0x99: {  	s19 =	sld [smem:$0x3FDB];
	_ =	sdelay $0x1  }
0x9a: {  	s5 =	simm.s32 $_scs_section_size  }
0x9b: {  	s6 =	simm.s32 $_size__tile_overlayer_lowered;
	s7 =	simm.s32 $_tile_overlayer_lowered  }
0x9c: {  	s22 =	simm.s32 $0x1BFF;
	s21 =	sshll.u32 s7, $0x1;
	s4 =	sadd.s32 s5, s19  }
0x9d: {  	s8 =	simm.s32 $0x0;
	s20 =	sshll.u32 s6, $0x1;
	s6 =	sadd.s32 s21, s4  }
0x9e: {  	[timem:s8], [sflag:s22] =	dma.local [hbm:s6], s20  }
0x9f: {  	_ =	swait.ge [sflag:s22], s20  }
0xa0: {  	s5 =	ssub.s32 $0x0, s20;
	[sflag:s22] =	ssyncset.done $0x0  }
0xa1: {  	[sflag:s22] =	ssyncadd.s32 s5;
	_ =	sdelay $0x1  }
0xa2: {  	s23 =	simm.s32 $0x1B8B  }
0xa3: {  	_ =	swait.ge [sflag:s23], $0x1  }
0xa4: {  	[sflag:s23] =	ssyncset.done $0x0  }
0xa5: {  	s25 =	simm.s32 $0x1B8E;
	s24 =	sld [smem:$0x3FFE];
	[sflag:s23] =	ssyncadd.s32 $0xFFFFFFFF  }
0xa6: {  	s26 =	simm.s32 $execute0_lowered;
	[smem:$0x3FD2] =	sst s25  }
0xa7: {  	s6 =	sshll.u32 s26, $0x1;
	_ =	strace $0x80000046;
	[dreg:$0x1] =	wrdreg $0xFFFFFFFF  }
0xa8: {  	s28 =	simm.s32 $_size_execute0_lowered;
	s4 =	sadd.s32 s4, s6;
	[dreg:$0x0] =	wrdreg $0x0  }
0xa9: {  	s6 =	sshll.u32 s28, $0x1;
	[dreg:$0x2] =	wrdreg s4  }
0xaa: {  	[dreg:$0x3] =	wrdreg s6  }
0xab: {  	[dreg:$0x4] =	wrdreg $0xC0  }
0xac: {  	_ =	task [dreg:s8], $0x5FFFF  }
0xad: {  	[dreg:$0x1] =	wrdreg $0xFFFFFFFF  }
0xae: {  	[dreg:$0x0] =	wrdreg $0x60  }
0xaf: {  	[dreg:$0x2] =	wrdreg s2  }
0xb0: {  	[dreg:$0x3] =	wrdreg s24  }
0xb1: {  	[dreg:$0x4] =	wrdreg s18  }
0xb2: {  	[dreg:$0x5] =	wrdreg $0x9  }
0xb3: {  	_ =	task.clear_ibuf [dreg:s8], $0x6FFFF;
	_ =	strace $0x90000046  }
0xb4: {  	s29 =	simm.s32 $0x9;
	_ =	strace $0x80000048  }
0xb5: {  	_ =	swait.ge [sflag:s29], $0x1  }
0xb6: {  	[sflag:s29] =	ssyncadd.s32 $0xFFFFFFFF  }
0xb7: {  	_ =	strace $0x90000048  }
0xb8: {  	_ =	sfence  }
0xb9: {  	s30 =	sld [smem:$0x0];
	_ =	sdelay $0x2  }
0xba: {  	s31 =	sshll.u32 s1, $0xD;
	s1 =	sshrl.u32 s1, $0x2  }
0xbb: {  	s3 =	sand.u32 $0x4000, s31;
	s1 =	sadd.s32 s1, s30  }
0xbc: {  	s0 =	sor.u32 s3, s0;
	s1 =	sshll.u32 s1, $0x11  }
0xbd: {  	s0 =	sor.u32 s1, s0  }
0xbe: {  	s0 =	sadd.s32 $0x8F2B, s0  }
0xbf: {  	[sflag:s0] =	ssyncadd.remote.s32 $0x1  }
0xc0: {  	_ =	sfence.sel $0xFFFF  }
0xc1: {  	[dreg:$0x0] =	wrdreg $0xFFFFFFFF;
	(pc) =	sbr.abs _section_cstart, $3  }
0xc2: {  	[dreg:$0x1] =	wrdreg $0xFFFFFFFF  }
0xc3: {  	_ =	task.clear_ibuf [dreg:s8], $0x2FFFF;
	_ =	strace $0x9FFFFFFF  }
0xc4: {  	(tm) =	ssettm $0x7FFFFFFF  }
0xc5: {  	_ =	shalt  }
tec
execute0_lowered:
.L_overlay_start_1:
0x0: {  	(tag) =	ssettag $0x1  }
0x1: {  	s1 =	rddreg [dreg:$0x0]  }
0x2: {  	s4 =	rddreg [dreg:$0x1]  }
0x3: {  	s5 =	rddreg [dreg:$0x2]  }
0x4: {  	s0 =	rddreg [dreg:$0x3]  }
0x5: {  	s6 =	srdreg.scid;
	s2 =	stileid.u32  }
0x6: {  	s3 =	simm.s32 $0x0;
	s10 =	simm.s32 $0x80;
	s11 =	simm.s32 $0xB400  }
0x7: {  	s12 =	simm.s32 $0x100;
	s13 =	simm.s32 $0xE800;
	s14 =	simm.s32 $0x180  }
0x8: {  	s15 =	simm.s32 $0x11C00;
	s16 =	simm.s32 $0x1;
	s17 =	simm.s32 $0x2  }
0x9: {  	s18 =	simm.s32 $0x3;
	s19 =	simm.s32 $0x4;
	s20 =	simm.s32 $0x15000  }
0xa: {  	s21 =	simm.s32 $0x0;
	s6 =	sand.u32 $0x1, s6;
	s7 =	sshll.u32 s2, $0x1  }
0xb: {  	[smem:$0x7FF] =	sst s3;
	s7 =	sor.u32 s6, s7;
	s6 =	ssub.s32 $0x2, s6  }
0xc: {  	_ =	strace $0x80000047;
	s8 =	sshll.u32 s7, $0xC;
	s9 =	sshrl.u32 s6, $0x1  }
0xd: {  	s7 =	sshll.u32 s7, $0xB;
	s4 =	sadd.s32 s8, s4;
	s6 =	ssub.s32 s6, s9  }
0xe: {  	s5 =	sadd.s32 s5, s7;
	s7 =	simm.s32 $0x5;
	s8 =	simm.s32 $0x64  }
0xf: {  	s9 =	simm.s32 $0x8000;
	s4 =	sadd.s32 $0x400, s4;
	s6 =	smax.u32 s6, $0x1  }
.LBB2_1:
0x10: {  	[tilespmem:s3], [sflag:$0x5] =	stream.linear.gather [hbm4b:s4+s3], $0x8000, $0x38;
	[tilespmem:$0x19000] =	vst v63  }
0x11: {  	_ =	swait.ge [sflag:s7], $0x8000  }
0x12: {  	[sflag:s7] =	ssyncset.done $0x0  }
0x13: {  	[sflag:s7] =	ssyncadd.s32 $0xFFFF8000  }
0x14: {  	[tilespmem:s9], [sflag:$0x1] =	stream.indirect.gather [hbm4b:s1+s8], $0x80, s3, s8, $0xb8;
	[tilespmem:$0x19000] =	vst v63  }
0x15: {  	_ = 	snop  }
0x16: {  	[tilespmem:s11], [sflag:$0x2] =	stream.indirect.gather [hbm4b:s1+s8], $0x80, s10, s8, $0xb8;
	[tilespmem:$0x19000] =	vst v63  }
0x17: {  	_ = 	snop  }
0x18: {  	[tilespmem:s13], [sflag:$0x3] =	stream.indirect.gather [hbm4b:s1+s8], $0x80, s12, s8, $0xb8;
	[tilespmem:$0x19000] =	vst v63  }
0x19: {  	s22 =	simm.s32 $0x0  }
0x1a: {  	[tilespmem:s15], [sflag:$0x4] =	stream.indirect.gather [hbm4b:s1+s8], $0x80, s14, s8, $0xb8;
	[tilespmem:$0x19000] =	vst v63  }
.LBB2_2:
0x1b: {  	_ =	swait.ge [sflag:s16], $0x3200  }
0x1c: {  	[sflag:s16] =	ssyncset.done $0x0  }
0x1d: {  	s25 =	simm.s32 $0x0;
	[sflag:s16] =	ssyncadd.s32 $0xFFFFCE00  }
0x1e: {  	v0 =	vld [tilespmem:s25+$0x8070]  }
0x1f: {  	v2 =	vld [tilespmem:s25+$0x8000]  }
0x20: {  	v4 =	vld [tilespmem:s25+$0x8010]  }
0x21: {  	v5 =	vld [tilespmem:s25+$0x8020]  }
0x22: {  	v8 =	vld [tilespmem:s25+$0x8030]  }
0x23: {  	v3 =	vimm.f32 $0.0e+00;
	v9 =	vimm.f32 $0.0e+00;
	v6 =	vld [tilespmem:s25+$0x8040]  }
0x24: {  	v10 =	vimm.f32 $0.0e+00;
	v7 =	vimm.f32 $0.0e+00;
	v11 =	vld [tilespmem:s25+$0x8050];
	v1 =	vadd.f32 v0, v3  }
0x25: {  	s24 =	simm.s32 $0x80;
	s23 =	simm.s32 $0x400;
	v12 =	vld [tilespmem:s25+$0x8060];
	v0 =	vadd.f32 v2, v3;
	v2 =	vadd.f32 v4, v3;
	v4 =	vimm.f32 $0.0e+00  }
.LBB2_3:
0x26: {  	p0 =	sne.s32 s23, $0xC600;
	v13 =	vld [tilespmem:s24+$0x8070];
	v3 =	vadd.f32 v5, v3  }
0x27: {  	v14 =	vld [tilespmem:s24+$0x8000];
	v4 =	vadd.f32 v8, v4  }
0x28: {  	v15 =	vld [tilespmem:s24+$0x8010];
	v9 =	vadd.f32 v6, v9  }
.Ltmp0:
0x29: {  	v5 =	vld [tilespmem:s24+$0x8020];
	v10 =	vadd.f32 v11, v10;
	(pc) =	sbr.rel @p0 .LBB2_3-.Ltmp0, $4  }
0x2a: {  	v8 =	vld [tilespmem:s24+$0x8030];
	v7 =	vadd.f32 v12, v7  }
0x2b: {  	v6 =	vld [tilespmem:s24+$0x8040];
	v1 =	vadd.f32 v13, v1  }
0x2c: {  	v0 =	vadd.f32 v14, v0;
	v11 =	vld [tilespmem:s24+$0x8050]  }
0x2d: {  	v2 =	vadd.f32 v15, v2;
	v12 =	vld [tilespmem:s24+$0x8060];
	s24 =	sshra.s32 s23, $0x2;
	s23 =	sadd.s32 $0x200, s23  }
0x2e: {  	v13 =	vld [tilespmem:s24+$0x8070]  }
0x2f: {  	v14 =	vld [tilespmem:s24+$0x8000]  }
0x30: {  	v15 =	vld [tilespmem:s24+$0x8010]  }
0x31: {  	v16 =	vld [tilespmem:s24+$0x8020]  }
0x32: {  	v17 =	vld [tilespmem:s24+$0x8030]  }
0x33: {  	v18 =	vld [tilespmem:s24+$0x8040];
	s23 =	sshll.u32 s22, $0xB;
	p0 =	seq.s32 s22, $0x3F  }
0x34: {  	v19 =	vld [tilespmem:s24+$0x8050];
	s23 =	sshrl.u32 @!p0 s23, $0x2  }
0x35: {  	v20 =	vld [tilespmem:s24+$0x8060];
	s25 =	simm.s32 @!p0 $0x64;
	s26 =	simm.s32 @!p0 $0x8000;
	s24 =	sadd.s32 @!p0 $0x200, s23  }
0x36: {  	[tilespmem:s26], [sflag:$0x1] =	stream.indirect.gather @!p0 [hbm4b:s1+s25], $0x80, s24, s25, $0xb8;
	[tilespmem:$0x19000] =	vst v63  }
0x37: {  	_ =	swait.ge [sflag:s17], $0x3200  }
0x38: {  	[sflag:s17] =	ssyncset.done $0x0  }
0x39: {  	s31 =	simm.s32 $0x0;
	[sflag:s17] =	ssyncadd.s32 $0xFFFFCE00  }
0x3a: {  	v3 =	vadd.f32 v5, v3;
	v4 =	vadd.f32 v8, v4;
	v8 =	vld [tilespmem:s31+$0xB470]  }
0x3b: {  	v9 =	vadd.f32 v6, v9;
	v10 =	vadd.f32 v11, v10;
	v21 =	vld [tilespmem:s31+$0xB400]  }
0x3c: {  	v12 =	vadd.f32 v12, v7;
	v13 =	vadd.f32 v13, v1;
	v22 =	vld [tilespmem:s31+$0xB410]  }
0x3d: {  	v14 =	vadd.f32 v14, v0;
	v15 =	vadd.f32 v15, v2;
	v11 =	vld [tilespmem:s31+$0xB420]  }
0x3e: {  	v5 =	vadd.f32 v16, v3;
	v4 =	vadd.f32 v17, v4;
	v6 =	vld [tilespmem:s31+$0xB430]  }
0x3f: {  	v3 =	vadd.f32 v18, v9;
	v2 =	vadd.f32 v19, v10;
	v7 =	vld [tilespmem:s31+$0xB440]  }
0x40: {  	v1 =	vadd.f32 v20, v12;
	v0 =	vadd.f32 v8, v13;
	v8 =	vld [tilespmem:s31+$0xB450]  }
0x41: {  	s24 =	simm.s32 $0x80;
	s25 =	simm.s32 $0x400;
	v9 =	vld [tilespmem:s31+$0xB460];
	v12 =	vadd.f32 v21, v14;
	v10 =	vadd.f32 v22, v15  }
.LBB2_5:
0x42: {  	p1 =	sne.s32 s25, $0xC600;
	v13 =	vld [tilespmem:s24+$0xB470];
	v5 =	vadd.f32 v11, v5  }
0x43: {  	v14 =	vld [tilespmem:s24+$0xB400];
	v4 =	vadd.f32 v6, v4  }
0x44: {  	v15 =	vld [tilespmem:s24+$0xB410];
	v3 =	vadd.f32 v7, v3  }
.Ltmp1:
0x45: {  	v11 =	vld [tilespmem:s24+$0xB420];
	v2 =	vadd.f32 v8, v2;
	(pc) =	sbr.rel @p1 .LBB2_5-.Ltmp1, $4  }
0x46: {  	v6 =	vld [tilespmem:s24+$0xB430];
	v1 =	vadd.f32 v9, v1  }
0x47: {  	v7 =	vld [tilespmem:s24+$0xB440];
	v0 =	vadd.f32 v13, v0  }
0x48: {  	v12 =	vadd.f32 v14, v12;
	v8 =	vld [tilespmem:s24+$0xB450]  }
0x49: {  	v10 =	vadd.f32 v15, v10;
	v9 =	vld [tilespmem:s24+$0xB460];
	s24 =	sshra.s32 s25, $0x2;
	s25 =	sadd.s32 $0x200, s25  }
0x4a: {  	v13 =	vld [tilespmem:s24+$0xB470]  }
0x4b: {  	v14 =	vld [tilespmem:s24+$0xB400]  }
0x4c: {  	v15 =	vld [tilespmem:s24+$0xB410]  }
0x4d: {  	v16 =	vld [tilespmem:s24+$0xB420]  }
0x4e: {  	v17 =	vld [tilespmem:s24+$0xB430]  }
0x4f: {  	v18 =	vld [tilespmem:s24+$0xB440]  }
0x50: {  	v19 =	vld [tilespmem:s24+$0xB450];
	v5 =	vadd.f32 v11, v5;
	s25 =	simm.s32 @!p0 $0x64;
	v11 =	vadd.f32 v14, v12  }
0x51: {  	s26 =	simm.s32 @!p0 $0xB400;
	s31 =	sshll.u32 s22, $0x8;
	v4 =	vadd.f32 v6, v4;
	v12 =	vld [tilespmem:s24+$0xB460];
	s24 =	sadd.s32 @!p0 $0x280, s23;
	v6 =	vadd.f32 v15, v10  }
0x52: {  	v3 =	vadd.f32 v7, v3;
	v5 =	vadd.f32 v16, v5;
	[tilespmem:s26], [sflag:$0x2] =	stream.indirect.gather @!p0 [hbm4b:s1+s25], $0x80, s24, s25, $0xb8;
	v7 =	vmul.f32 $4.999999890e-03, v11;
	[tilespmem:$0x19000] =	vst v63  }
0x53: {  	v2 =	vadd.f32 v8, v2;
	v4 =	vadd.f32 v17, v4;
	s24 =	sand.u32 $0x3FFFFF00, s31;
	v6 =	vmul.f32 $4.999999890e-03, v6  }
0x54: {  	v3 =	vadd.f32 v18, v3;
	v5 =	vmul.f32 $4.999999890e-03, v5;
	[tilespmem:s24+$0x15000] =	vst v7  }
0x55: {  	v1 =	vadd.f32 v9, v1;
	v2 =	vadd.f32 v19, v2;
	v4 =	vmul.f32 $4.999999890e-03, v4;
	[tilespmem:s24+$0x15010] =	vst v6  }
0x56: {  	v0 =	vadd.f32 v13, v0;
	v3 =	vmul.f32 $4.999999890e-03, v3;
	[tilespmem:s24+$0x15020] =	vst v5  }
0x57: {  	v2 =	vmul.f32 $4.999999890e-03, v2;
	[tilespmem:s24+$0x15030] =	vst v4;
	v1 =	vadd.f32 v12, v1  }
0x58: {  	v0 =	vmul.f32 $4.999999890e-03, v0;
	[tilespmem:s24+$0x15040] =	vst v3  }
0x59: {  	[tilespmem:s24+$0x15050] =	vst v2;
	v1 =	vmul.f32 $4.999999890e-03, v1  }
0x5a: {  	[tilespmem:s24+$0x15070] =	vst v0  }
0x5b: {  	[tilespmem:s24+$0x15060] =	vst v1  }
0x5c: {  	_ =	swait.ge [sflag:s18], $0x3200  }
0x5d: {  	[sflag:s18] =	ssyncset.done $0x0  }
0x5e: {  	s28 =	simm.s32 $0x0;
	[sflag:s18] =	ssyncadd.s32 $0xFFFFCE00  }
0x5f: {  	v0 =	vld [tilespmem:s28+$0xE870]  }
0x60: {  	v2 =	vld [tilespmem:s28+$0xE800]  }
0x61: {  	v4 =	vld [tilespmem:s28+$0xE810]  }
0x62: {  	v5 =	vld [tilespmem:s28+$0xE820]  }
0x63: {  	v8 =	vld [tilespmem:s28+$0xE830]  }
0x64: {  	v9 =	vimm.f32 $0.0e+00;
	v3 =	vimm.f32 $0.0e+00;
	v6 =	vld [tilespmem:s28+$0xE840]  }
0x65: {  	v10 =	vimm.f32 $0.0e+00;
	v7 =	vimm.f32 $0.0e+00;
	v11 =	vld [tilespmem:s28+$0xE850];
	v1 =	vadd.f32 v0, v3  }
0x66: {  	s25 =	simm.s32 $0x80;
	s26 =	simm.s32 $0x400;
	v12 =	vld [tilespmem:s28+$0xE860];
	v0 =	vadd.f32 v2, v3;
	v2 =	vadd.f32 v4, v3;
	v4 =	vimm.f32 $0.0e+00  }
.LBB2_7:
0x67: {  	p1 =	sne.s32 s26, $0xC600;
	v13 =	vld [tilespmem:s25+$0xE870];
	v3 =	vadd.f32 v5, v3  }
0x68: {  	v14 =	vld [tilespmem:s25+$0xE800];
	v4 =	vadd.f32 v8, v4  }
0x69: {  	v15 =	vld [tilespmem:s25+$0xE810];
	v9 =	vadd.f32 v6, v9  }
.Ltmp2:
0x6a: {  	v5 =	vld [tilespmem:s25+$0xE820];
	v10 =	vadd.f32 v11, v10;
	(pc) =	sbr.rel @p1 .LBB2_7-.Ltmp2, $4  }
0x6b: {  	v8 =	vld [tilespmem:s25+$0xE830];
	v7 =	vadd.f32 v12, v7  }
0x6c: {  	v6 =	vld [tilespmem:s25+$0xE840];
	v1 =	vadd.f32 v13, v1  }
0x6d: {  	v0 =	vadd.f32 v14, v0;
	v11 =	vld [tilespmem:s25+$0xE850]  }
0x6e: {  	v2 =	vadd.f32 v15, v2;
	v12 =	vld [tilespmem:s25+$0xE860];
	s25 =	sshra.s32 s26, $0x2;
	s26 =	sadd.s32 $0x200, s26  }
0x6f: {  	v13 =	vld [tilespmem:s25+$0xE870]  }
0x70: {  	v14 =	vld [tilespmem:s25+$0xE800]  }
0x71: {  	v15 =	vld [tilespmem:s25+$0xE810]  }
0x72: {  	v16 =	vld [tilespmem:s25+$0xE820]  }
0x73: {  	v17 =	vld [tilespmem:s25+$0xE830]  }
0x74: {  	v18 =	vld [tilespmem:s25+$0xE840]  }
0x75: {  	v19 =	vld [tilespmem:s25+$0xE850]  }
0x76: {  	v20 =	vld [tilespmem:s25+$0xE860];
	s25 =	sadd.s32 @!p0 $0x300, s23;
	s26 =	simm.s32 @!p0 $0x64;
	s28 =	simm.s32 @!p0 $0xE800  }
0x77: {  	[tilespmem:s28], [sflag:$0x3] =	stream.indirect.gather @!p0 [hbm4b:s1+s26], $0x80, s25, s26, $0xb8;
	[tilespmem:$0x19000] =	vst v63  }
0x78: {  	_ =	swait.ge [sflag:s19], $0x3200  }
0x79: {  	[sflag:s19] =	ssyncset.done $0x0  }
0x7a: {  	s31 =	simm.s32 $0x0;
	[sflag:s19] =	ssyncadd.s32 $0xFFFFCE00  }
0x7b: {  	v3 =	vadd.f32 v5, v3;
	v4 =	vadd.f32 v8, v4;
	v21 =	vld [tilespmem:s31+$0x11C70]  }
0x7c: {  	v6 =	vadd.f32 v6, v9;
	v10 =	vadd.f32 v11, v10;
	v11 =	vld [tilespmem:s31+$0x11C00]  }
0x7d: {  	v7 =	vadd.f32 v12, v7;
	v12 =	vadd.f32 v13, v1;
	v13 =	vld [tilespmem:s31+$0x11C10]  }
0x7e: {  	v14 =	vadd.f32 v14, v0;
	v15 =	vadd.f32 v15, v2;
	v8 =	vld [tilespmem:s31+$0x11C20]  }
0x7f: {  	v5 =	vadd.f32 v16, v3;
	v4 =	vadd.f32 v17, v4;
	v9 =	vld [tilespmem:s31+$0x11C30]  }
0x80: {  	v3 =	vadd.f32 v18, v6;
	v2 =	vadd.f32 v19, v10;
	v10 =	vld [tilespmem:s31+$0x11C40]  }
0x81: {  	v6 =	vld [tilespmem:s31+$0x11C50];
	v1 =	vadd.f32 v20, v7;
	v0 =	vadd.f32 v21, v12  }
0x82: {  	s25 =	simm.s32 $0x80;
	s26 =	simm.s32 $0x400;
	v7 =	vld [tilespmem:s31+$0x11C60];
	v11 =	vadd.f32 v11, v14;
	v12 =	vadd.f32 v13, v15  }
.LBB2_9:
0x83: {  	p1 =	sne.s32 s26, $0xC600;
	v13 =	vld [tilespmem:s25+$0x11C70];
	v5 =	vadd.f32 v8, v5  }
0x84: {  	v14 =	vld [tilespmem:s25+$0x11C00];
	v4 =	vadd.f32 v9, v4  }
0x85: {  	v15 =	vld [tilespmem:s25+$0x11C10];
	v3 =	vadd.f32 v10, v3  }
.Ltmp3:
0x86: {  	v8 =	vld [tilespmem:s25+$0x11C20];
	v2 =	vadd.f32 v6, v2;
	(pc) =	sbr.rel @p1 .LBB2_9-.Ltmp3, $4  }
0x87: {  	v9 =	vld [tilespmem:s25+$0x11C30];
	v1 =	vadd.f32 v7, v1  }
0x88: {  	v10 =	vld [tilespmem:s25+$0x11C40];
	v0 =	vadd.f32 v13, v0  }
0x89: {  	v11 =	vadd.f32 v14, v11;
	v6 =	vld [tilespmem:s25+$0x11C50]  }
0x8a: {  	v12 =	vadd.f32 v15, v12;
	v7 =	vld [tilespmem:s25+$0x11C60];
	s25 =	sshra.s32 s26, $0x2;
	s26 =	sadd.s32 $0x200, s26  }
0x8b: {  	v13 =	vld [tilespmem:s25+$0x11C00]  }
0x8c: {  	v14 =	vld [tilespmem:s25+$0x11C10]  }
0x8d: {  	v15 =	vld [tilespmem:s25+$0x11C20]  }
0x8e: {  	v16 =	vld [tilespmem:s25+$0x11C30]  }
0x8f: {  	v17 =	vld [tilespmem:s25+$0x11C40]  }
0x90: {  	v5 =	vadd.f32 v8, v5;
	v59 =	vld [tilespmem:s25+$0x11C50];
	v58 =	vadd.f32 v13, v11  }
0x91: {  	v62 =	vld [tilespmem:s25+$0x11C70];
	v4 =	vadd.f32 v9, v4;
	v60 =	vadd.f32 v14, v12  }
0x92: {  	v61 =	vld [tilespmem:s25+$0x11C60];
	s23 =	sadd.s32 @!p0 $0x380, s23;
	s25 =	simm.s32 @!p0 $0x64;
	s26 =	simm.s32 @!p0 $0x11C00;
	v3 =	vadd.f32 v10, v3;
	v5 =	vadd.f32 v15, v5;
	v8 =	vmul.f32 $4.999999890e-03, v58  }
0x93: {  	[tilespmem:s26], [sflag:$0x4] =	stream.indirect.gather @!p0 [hbm4b:s1+s25], $0x80, s23, s25, $0xb8;
	v2 =	vadd.f32 v6, v2;
	v4 =	vadd.f32 v16, v4;
	v63 =	vmul.f32 $4.999999890e-03, v60;
	[tilespmem:$0x19000] =	vst v63  }
0x94: {  	v3 =	vadd.f32 v17, v3;
	v5 =	vmul.f32 $4.999999890e-03, v5;
	[tilespmem:s24+$0x15080] =	vst v8  }
0x95: {  	s22 =	sadd.s32 $0x1, s22;
	v1 =	vadd.f32 v7, v1;
	v2 =	vadd.f32 v59, v2;
	v4 =	vmul.f32 $4.999999890e-03, v4;
	[tilespmem:s24+$0x15090] =	vst v63  }
0x96: {  	p0 =	sne.s32 s22, $0x40;
	v0 =	vadd.f32 v62, v0;
	v3 =	vmul.f32 $4.999999890e-03, v3;
	[tilespmem:s24+$0x150A0] =	vst v5  }
.Ltmp4:
0x97: {  	v1 =	vadd.f32 v61, v1;
	v2 =	vmul.f32 $4.999999890e-03, v2;
	[tilespmem:s24+$0x150B0] =	vst v4;
	(pc) =	sbr.rel @p0 .LBB2_2-.Ltmp4, $4  }
0x98: {  	v0 =	vmul.f32 $4.999999890e-03, v0;
	[tilespmem:s24+$0x150C0] =	vst v3  }
0x99: {  	v1 =	vmul.f32 $4.999999890e-03, v1;
	[tilespmem:s24+$0x150D0] =	vst v2  }
0x9a: {  	[tilespmem:s24+$0x150F0] =	vst v0  }
0x9b: {  	[tilespmem:s24+$0x150E0] =	vst v1  }
0x9c: {  	s21 =	sadd.s32 $0x1, s21  }
0x9d: {  	p0 =	sne.s32 s21, s6  }
.Ltmp5:
0x9e: {  	_ = 	snop;
	(pc) =	sbr.rel @p0 .LBB2_1-.Ltmp5, $4  }
0x9f: {  	[hbm4b:s5+s3] =	stream.linear.scatter [tilespmem:s20], [sflag:$0x5], $0x4000, $0x38;
	[tilespmem:$0x19000] =	vst v63  }
0xa0: {  	_ =	swait.ge [sflag:s7], $0x4000  }
0xa1: {  	[sflag:s7] =	ssyncset.done $0x0  }
0xa2: {  	[sflag:s7] =	ssyncadd.s32 $0xFFFFC000  }
0xa3: {  	_ =	sfence.sel $0x180000  }
0xa4: {  	[bflag:$0x0] =	sbarrier.arrive $0xFFFF  }
0xa5: {  	p0 =	sne.s32 s2, $0x0;
	_ =	strace $0x90000047  }
0xa6: {  	s0 =	sadd.s32 @!p0 $0x100000, s0;
	[bflag:$0x2] =	sbarrier.arrive $0xFFFF  }
0xa7: {  	[sflag:s0] =	ssyncadd.tile.s32 @!p0 $0x1;
	_ =	shalt  }
.Lfunc_end2:
_tile_overlayer_lowered:
.L_overlay_start_2:
0xa8: {  	(tag) =	ssettag $0x2  }
0xa9: {  	s0 =	rddreg [dreg:$0x0];
	s2 =	stileid.u32  }
0xaa: {  	s1 =	rddreg [dreg:$0x1];
	p0 =	sne.s32 s2, $0x0  }
0xab: {  	s3 =	rddreg [dreg:$0x2];
	[bflag:$0x3] =	sbarrier.arrive $0xFFFF;
	s2 =	simm.s32 @!p0 $0x1C05  }
0xac: {  	[timem:s3], [sflag:s2] =	dma.local @!p0 [hbm:s0], s1  }
0xad: {  	s0 =	simm.s32 @!p0 $0x5  }
0xae: {  	_ =	swait.ge @!p0 [sflag:s0], s1  }
0xaf: {  	s1 =	ssub.s32 @!p0 $0x0, s1;
	[sflag:s0] =	ssyncset.done @!p0 $0x0  }
0xb0: {  	[sflag:s0] =	ssyncadd.s32 @!p0 s1  }
0xb1: {  	[bflag:$0x3] =	sbarrier.arrive $0xFFFF  }
0xb2: {  	_ =	shalt  }

</sc_bundles>
